<compile_context>
chip_gen: v7x
topology: tpu7x:2x2x1
jax: 0.10.2.dev20260603
libtpu: 0.0.44.dev20260713+nightly
codegen_flags: <defaults>
</compile_context>

<pallas_src>
import functools

import jax
import jax.numpy as jnp
from jax import lax
from jax.experimental import pallas as pl
from jax.experimental.pallas import tpu as pltpu
from jax.experimental.pallas import tpu_sc as plsc

_N = 10000
_E = 320000
_D = 128

_NC = 2
_NS = 16
_EP_CORE = _E // _NC
_EP_TILE = _EP_CORE // _NS
_CHUNK = 80
_NCHUNK = 126
_NPAD = 10240
_ROWS_PT = _NPAD // _NS
_DUMP = _NPAD - 1

_NBUF = 3
_NIB = 2 * _NBUF


def _lift_body(x_ref, w_ref, b_ref, o_ref):
    o_ref[...] = (
        jnp.dot(x_ref[...], w_ref[...], preferred_element_type=jnp.float32)
        + b_ref[...]
    )


def _lift(x, w, b):
    blk = 1000
    return pl.pallas_call(
        _lift_body,
        grid=(_N // blk,),
        in_specs=[
            pl.BlockSpec((blk, _D), lambda i: (i, 0)),
            pl.BlockSpec((_D, _D), lambda i: (0, 0)),
            pl.BlockSpec((1, _D), lambda i: (0, 0)),
        ],
        out_specs=pl.BlockSpec((blk, _D), lambda i: (i, 0)),
        out_shape=jax.ShapeDtypeStruct((_N, _D), jnp.float32),
    )(x, w, b.reshape(1, _D))


def _seg_body(h_hbm, eidx_hbm, zeros_hbm, out_hbm, ibufs, rows, agg,
              iqs, gsems, ssems):
    c = lax.axis_index("c")
    s = lax.axis_index("s")
    wid = c * _NS + s

    pltpu.sync_copy(zeros_hbm, agg.at[pl.ds(s * _ROWS_PT, _ROWS_PT)])
    plsc.subcore_barrier()

    def ifetch(ci, q):
        pltpu.async_copy(eidx_hbm.at[wid, ci], ibufs[q], iqs[q])

    def wait_ifetch(q):
        pltpu.make_async_copy(eidx_hbm.at[0, 0], ibufs[q], iqs[q]).wait()

    def gather(q, b):
        pltpu.async_copy(h_hbm.at[ibufs[q].at[0]], rows[b], gsems[b])

    def wait_gather(b):
        pltpu.make_async_copy(h_hbm.at[pl.ds(0, _CHUNK)], rows[b],
                              gsems[b]).wait()

    def scatter(q, b):
        pltpu.async_copy(rows[b], agg.at[ibufs[q].at[1]], ssems[b],
                         add=True)

    def wait_scatter(b):
        pltpu.make_async_copy(h_hbm.at[pl.ds(0, _CHUNK)], rows[b],
                              ssems[b]).wait()

    for q in range(_NBUF):
        ifetch(q, q)
    for n in range(_NIB):
        b = n % _NBUF
        if n >= _NBUF:
            wait_scatter(b)
        ifetch(n + _NBUF, (n + _NBUF) % _NIB)
        if n >= 1:
            pb = (n - 1) % _NBUF
            wait_gather(pb)
            scatter((n - 1) % _NIB, pb)
        wait_ifetch(n % _NIB)
        gather(n % _NIB, b)

    @pl.loop(1, _NCHUNK // _NIB)
    def _steady(t):
        for jj in range(_NIB):
            n = t * _NIB + jj
            b = jj % _NBUF
            wait_scatter(b)
            nxt = n + _NBUF

            @pl.when(nxt < _NCHUNK)
            def _():
                ifetch(nxt, (jj + _NBUF) % _NIB)

            pb = (jj - 1) % _NBUF
            wait_gather(pb)
            scatter((jj - 1) % _NIB, pb)
            wait_ifetch(jj)
            gather(jj, b)

    lb = (_NCHUNK - 1) % _NBUF
    wait_gather(lb)
    scatter((_NCHUNK - 1) % _NIB, lb)
    for b in range(_NBUF):
        wait_scatter(b)

    plsc.subcore_barrier()

    pltpu.sync_copy(
        agg.at[pl.ds(s * _ROWS_PT, _ROWS_PT)],
        out_hbm.at[c, pl.ds(s * _ROWS_PT, _ROWS_PT)],
    )


_seg = functools.partial(
    pl.kernel,
    out_type=jax.ShapeDtypeStruct((_NC, _NPAD, _D), jnp.float32),
    mesh=plsc.VectorSubcoreMesh(core_axis_name="c", subcore_axis_name="s"),
    scratch_types=[
        [pltpu.VMEM((2, _CHUNK), jnp.int32) for _ in range(_NIB)],
        [pltpu.VMEM((_CHUNK, _D), jnp.float32) for _ in range(_NBUF)],
        pltpu.VMEM_SHARED((_NPAD, _D), jnp.float32),
        [pltpu.SemaphoreType.DMA for _ in range(_NIB)],
        [pltpu.SemaphoreType.DMA for _ in range(_NBUF)],
        [pltpu.SemaphoreType.DMA for _ in range(_NBUF)],
    ],
)(_seg_body)


def _tail_body(p0_ref, p1_ref, h_ref, wrel_ref, brel_ref, wroot_ref,
               wproj_ref, bproj_ref, o_ref):
    agg = p0_ref[...] + p1_ref[...]
    t = jnp.tanh(
        jnp.dot(agg, wrel_ref[...], preferred_element_type=jnp.float32)
        + brel_ref[...]
        + jnp.dot(h_ref[...], wroot_ref[...], preferred_element_type=jnp.float32)
    )
    o_ref[...] = (
        jnp.dot(t, wproj_ref[...], preferred_element_type=jnp.float32)
        + bproj_ref[...]
    )


def _tail(p0, p1, h, w_rel, b_rel, w_root, w_proj, b_proj):
    blk = 1000
    full = pl.BlockSpec((_D, _D), lambda i: (0, 0))
    bias = pl.BlockSpec((1, _D), lambda i: (0, 0))
    row = pl.BlockSpec((blk, _D), lambda i: (i, 0))
    return pl.pallas_call(
        _tail_body,
        grid=(_N // blk,),
        in_specs=[row, row, row, full, bias, full, full, bias],
        out_specs=row,
        out_shape=jax.ShapeDtypeStruct((_N, _D), jnp.float32),
    )(p0, p1, h, w_rel, b_rel.reshape(1, _D), w_root, w_proj,
      b_proj.reshape(1, _D))


def kernel(x, edge_index, W_lift, b_lift, W_rel, b_rel, W_root, W_proj,
           b_proj):
    nw = _NC * _NS
    src = edge_index[0].astype(jnp.int32).reshape(nw, _NCHUNK - 1, 1, _CHUNK)
    dst = edge_index[1].astype(jnp.int32).reshape(nw, _NCHUNK - 1, 1, _CHUNK)
    pad_src = jnp.zeros((nw, 1, 1, _CHUNK), jnp.int32)
    pad_dst = jnp.full((nw, 1, 1, _CHUNK), _DUMP, jnp.int32)
    eidx = jnp.concatenate([
        jnp.concatenate([src, pad_src], axis=1),
        jnp.concatenate([dst, pad_dst], axis=1),
    ], axis=2)
    h = _lift(x, W_lift, b_lift)
    zeros = jnp.zeros((_ROWS_PT, _D), jnp.float32)
    partials = _seg(h, eidx, zeros)
    return _tail(partials[0], partials[1], h, W_rel, b_rel, W_root, W_proj,
                 b_proj)

# --- scband reference (transcript-rebuilt; emitter-appended) ---
"""Pipeline reference for scband-gno-34746285425229 (READ-ONLY COPY).

The authoritative reference and input builder live on the scoring server;
editing this copy changes nothing except your own understanding.
"""

import jax, jax.numpy as jnp
import numpy as np

N_NODES = 10000
N_EDGES = 320000
D = 128

def setup_inputs(seed: int = 0) -> dict:
    key = jax.random.key(seed)
    ks = jax.random.split(key, 10)
    x = jax.random.normal(ks[0], (N_NODES, D), dtype=jnp.float32)
    edge_index = jax.random.randint(ks[1], (2, N_EDGES), 0, N_NODES, dtype=jnp.int64)
    s = 1.0 / np.sqrt(D)
    W_lift = jax.random.uniform(ks[2], (D, D), jnp.float32, -s, s)
    b_lift = jax.random.uniform(ks[3], (D,), jnp.float32, -s, s)
    W_rel = jax.random.uniform(ks[4], (D, D), jnp.float32, -s, s)
    b_rel = jax.random.uniform(ks[5], (D,), jnp.float32, -s, s)
    W_root = jax.random.uniform(ks[6], (D, D), jnp.float32, -s, s)
    W_proj = jax.random.uniform(ks[7], (D, D), jnp.float32, -s, s)
    b_proj = jax.random.uniform(ks[8], (D,), jnp.float32, -s, s)
    return {"x": x, "edge_index": edge_index, "W_lift": W_lift, "b_lift": b_lift,
            "W_rel": W_rel, "b_rel": b_rel, "W_root": W_root,
            "W_proj": W_proj, "b_proj": b_proj}

def reference(x, edge_index, W_lift, b_lift, W_rel, b_rel, W_root, W_proj, b_proj):
    # lifting_operator: Linear(128 -> 128)
    h = x @ W_lift + b_lift
    # GraphConv(128, 128), aggr='add':
    #   out = lin_rel(sum_{j in N(i)} h_j) + lin_root(h_i)
    src = edge_index[0]
    dst = edge_index[1]
    msgs = jnp.take(h, src, axis=0)               # gather neighbor features
    agg = jax.ops.segment_sum(msgs, dst, num_segments=h.shape[0])  # scatter-add
    h = (agg @ W_rel + b_rel) + (h @ W_root)      # lin_root has no bias in PyG
    # activation
    h = jnp.tanh(h)
    # projection_operator: Linear(128 -> 128)
    out = h @ W_proj + b_proj
    return out

if __name__ == "__main__":
    import jax
    _d = setup_inputs()
    print(jax.jit(kernel)(*tuple(_d.values())))

</pallas_src>

<mosaic_0001>
#map = affine_map<(d0, d1) -> (0, 0)>
#map1 = affine_map<(d0, d1) -> (0, 0, 0, 0)>
#map2 = affine_map<(d0, d1) -> (0, 0, 0)>
module attributes {stable_mosaic.version = 14 : i64} {
  func.func @_seg_body(%arg0: i32, %arg1: i32, %arg2: memref<10000x128xf32, #tpu.memory_space<hbm>>, %arg3: memref<32x126x2x80xi32, #tpu.memory_space<hbm>>, %arg4: memref<640x128xf32, #tpu.memory_space<hbm>>, %arg5: memref<2x10240x128xf32, #tpu.memory_space<hbm>>, %arg6: memref<2x80xi32, #tpu.memory_space<vmem>>, %arg7: memref<2x80xi32, #tpu.memory_space<vmem>>, %arg8: memref<2x80xi32, #tpu.memory_space<vmem>>, %arg9: memref<2x80xi32, #tpu.memory_space<vmem>>, %arg10: memref<2x80xi32, #tpu.memory_space<vmem>>, %arg11: memref<2x80xi32, #tpu.memory_space<vmem>>, %arg12: memref<80x128xf32, #tpu.memory_space<vmem>>, %arg13: memref<80x128xf32, #tpu.memory_space<vmem>>, %arg14: memref<80x128xf32, #tpu.memory_space<vmem>>, %arg15: memref<10240x128xf32, #tpu.memory_space<vmem_shared>>, %arg16: memref<!tpu.dma_semaphore, #tpu.memory_space<semaphore_mem>>, %arg17: memref<!tpu.dma_semaphore, #tpu.memory_space<semaphore_mem>>, %arg18: memref<!tpu.dma_semaphore, #tpu.memory_space<semaphore_mem>>, %arg19: memref<!tpu.dma_semaphore, #tpu.memory_space<semaphore_mem>>, %arg20: memref<!tpu.dma_semaphore, #tpu.memory_space<semaphore_mem>>, %arg21: memref<!tpu.dma_semaphore, #tpu.memory_space<semaphore_mem>>, %arg22: memref<!tpu.dma_semaphore, #tpu.memory_space<semaphore_mem>>, %arg23: memref<!tpu.dma_semaphore, #tpu.memory_space<semaphore_mem>>, %arg24: memref<!tpu.dma_semaphore, #tpu.memory_space<semaphore_mem>>, %arg25: memref<!tpu.dma_semaphore, #tpu.memory_space<semaphore_mem>>, %arg26: memref<!tpu.dma_semaphore, #tpu.memory_space<semaphore_mem>>, %arg27: memref<!tpu.dma_semaphore, #tpu.memory_space<semaphore_mem>>) attributes {dimension_semantics = [#tpu.dimension_semantics<core_parallel>, #tpu.dimension_semantics<subcore_parallel>], iteration_bounds = array<i64: 2, 16>, scalar_prefetch = 0 : i64, scratch_operands = 22 : i64, tpu.core_type = #tpu.core_type<sc_vector_subcore>, window_params = [{transform_indices = #map}, {transform_indices = #map1}, {transform_indices = #map}, {transform_indices = #map2}]} {
    %mul3A = arith.constant 16 : i32
    %mul3A_0 = arith.muli %arg0, %mul3A : i32
    %add3A = arith.addi %mul3A_0, %arg1 : i32
    %mul3A_1 = arith.constant 640 : i32
    %mul3A_2 = arith.muli %arg1, %mul3A_1 : i32
    "tpu.region"() ({
      %run_scoped3A = tpu.sem_alloc : memref<!tpu.dma_semaphore, #tpu.memory_space<semaphore_mem>>
      %dma_start3A_307 = arith.constant 0 : i32
      %dma_start3A_308 = tpu.memref_slice %arg15[%mul3A_2, %dma_start3A_307] : memref<10240x128xf32, #tpu.memory_space<vmem_shared>> -> memref<640x128xf32, #tpu.memory_space<vmem_shared>>
      tpu.enqueue_dma source(%arg4 : memref<640x128xf32, #tpu.memory_space<hbm>>) target(%dma_start3A_308 : memref<640x128xf32, #tpu.memory_space<vmem_shared>>) target_semaphore(%run_scoped3A : memref<!tpu.dma_semaphore, #tpu.memory_space<semaphore_mem>>)
      %dma_wait3A_309 = arith.constant 0 : i32
      %dma_wait3A_310 = tpu.memref_slice %arg15[%mul3A_2, %dma_wait3A_309] : memref<10240x128xf32, #tpu.memory_space<vmem_shared>> -> memref<640x128xf32, #tpu.memory_space<vmem_shared>>
      tpu.wait_dma2 semaphore(%run_scoped3A : memref<!tpu.dma_semaphore, #tpu.memory_space<semaphore_mem>>) src(%arg4 : memref<640x128xf32, #tpu.memory_space<hbm>>) dst(%dma_wait3A_310 : memref<640x128xf32, #tpu.memory_space<vmem_shared>>)
      tpu.yield
    }) : () -> ()
    %barrier3A = arith.constant 0 : index
    tpu.barrier barrier_id(%barrier3A)
    %dma_start3A = arith.constant 0 : i32
    %dma_start3A_3 = arith.constant 0 : i32
    %dma_start3A_4 = arith.constant 0 : i32
    %dma_start3A_5 = tpu.memref_slice %arg3[%add3A, %dma_start3A, %dma_start3A_3, %dma_start3A_4] : memref<32x126x2x80xi32, #tpu.memory_space<hbm>> -> memref<1x1x2x80xi32, #tpu.memory_space<hbm>>
    %dma_start3A_6 = tpu.memref_squeeze %dma_start3A_5 : memref<1x1x2x80xi32, #tpu.memory_space<hbm>> -> memref<2x80xi32, #tpu.memory_space<hbm>>
    %dma_start3A_7 = arith.constant 0 : i32
    %dma_start3A_8 = arith.constant 0 : i32
    %dma_start3A_9 = tpu.memref_slice %arg3[%add3A, %dma_start3A, %dma_start3A_7, %dma_start3A_8] : memref<32x126x2x80xi32, #tpu.memory_space<hbm>> -> memref<1x1x2x80xi32, #tpu.memory_space<hbm>>
    %dma_start3A_10 = tpu.memref_squeeze %dma_start3A_9 : memref<1x1x2x80xi32, #tpu.memory_space<hbm>> -> memref<2x80xi32, #tpu.memory_space<hbm>>
    tpu.enqueue_dma source(%dma_start3A_10 : memref<2x80xi32, #tpu.memory_space<hbm>>) target(%arg6 : memref<2x80xi32, #tpu.memory_space<vmem>>) target_semaphore(%arg16 : memref<!tpu.dma_semaphore, #tpu.memory_space<semaphore_mem>>)
    %dma_start3A_11 = arith.constant 1 : i32
    %dma_start3A_12 = arith.constant 0 : i32
    %dma_start3A_13 = arith.constant 0 : i32
    %dma_start3A_14 = tpu.memref_slice %arg3[%add3A, %dma_start3A_11, %dma_start3A_12, %dma_start3A_13] : memref<32x126x2x80xi32, #tpu.memory_space<hbm>> -> memref<1x1x2x80xi32, #tpu.memory_space<hbm>>
    %dma_start3A_15 = tpu.memref_squeeze %dma_start3A_14 : memref<1x1x2x80xi32, #tpu.memory_space<hbm>> -> memref<2x80xi32, #tpu.memory_space<hbm>>
    %dma_start3A_16 = arith.constant 0 : i32
    %dma_start3A_17 = arith.constant 0 : i32
    %dma_start3A_18 = tpu.memref_slice %arg3[%add3A, %dma_start3A_11, %dma_start3A_16, %dma_start3A_17] : memref<32x126x2x80xi32, #tpu.memory_space<hbm>> -> memref<1x1x2x80xi32, #tpu.memory_space<hbm>>
    %dma_start3A_19 = tpu.memref_squeeze %dma_start3A_18 : memref<1x1x2x80xi32, #tpu.memory_space<hbm>> -> memref<2x80xi32, #tpu.memory_space<hbm>>
    tpu.enqueue_dma source(%dma_start3A_19 : memref<2x80xi32, #tpu.memory_space<hbm>>) target(%arg7 : memref<2x80xi32, #tpu.memory_space<vmem>>) target_semaphore(%arg17 : memref<!tpu.dma_semaphore, #tpu.memory_space<semaphore_mem>>)
    %dma_start3A_20 = arith.constant 2 : i32
    %dma_start3A_21 = arith.constant 0 : i32
    %dma_start3A_22 = arith.constant 0 : i32
    %dma_start3A_23 = tpu.memref_slice %arg3[%add3A, %dma_start3A_20, %dma_start3A_21, %dma_start3A_22] : memref<32x126x2x80xi32, #tpu.memory_space<hbm>> -> memref<1x1x2x80xi32, #tpu.memory_space<hbm>>
    %dma_start3A_24 = tpu.memref_squeeze %dma_start3A_23 : memref<1x1x2x80xi32, #tpu.memory_space<hbm>> -> memref<2x80xi32, #tpu.memory_space<hbm>>
    %dma_start3A_25 = arith.constant 0 : i32
    %dma_start3A_26 = arith.constant 0 : i32
    %dma_start3A_27 = tpu.memref_slice %arg3[%add3A, %dma_start3A_20, %dma_start3A_25, %dma_start3A_26] : memref<32x126x2x80xi32, #tpu.memory_space<hbm>> -> memref<1x1x2x80xi32, #tpu.memory_space<hbm>>
    %dma_start3A_28 = tpu.memref_squeeze %dma_start3A_27 : memref<1x1x2x80xi32, #tpu.memory_space<hbm>> -> memref<2x80xi32, #tpu.memory_space<hbm>>
    tpu.enqueue_dma source(%dma_start3A_28 : memref<2x80xi32, #tpu.memory_space<hbm>>) target(%arg8 : memref<2x80xi32, #tpu.memory_space<vmem>>) target_semaphore(%arg18 : memref<!tpu.dma_semaphore, #tpu.memory_space<semaphore_mem>>)
    %dma_start3A_29 = arith.constant 3 : i32
    %dma_start3A_30 = arith.constant 0 : i32
    %dma_start3A_31 = arith.constant 0 : i32
    %dma_start3A_32 = tpu.memref_slice %arg3[%add3A, %dma_start3A_29, %dma_start3A_30, %dma_start3A_31] : memref<32x126x2x80xi32, #tpu.memory_space<hbm>> -> memref<1x1x2x80xi32, #tpu.memory_space<hbm>>
    %dma_start3A_33 = tpu.memref_squeeze %dma_start3A_32 : memref<1x1x2x80xi32, #tpu.memory_space<hbm>> -> memref<2x80xi32, #tpu.memory_space<hbm>>
    %dma_start3A_34 = arith.constant 0 : i32
    %dma_start3A_35 = arith.constant 0 : i32
    %dma_start3A_36 = tpu.memref_slice %arg3[%add3A, %dma_start3A_29, %dma_start3A_34, %dma_start3A_35] : memref<32x126x2x80xi32, #tpu.memory_space<hbm>> -> memref<1x1x2x80xi32, #tpu.memory_space<hbm>>
    %dma_start3A_37 = tpu.memref_squeeze %dma_start3A_36 : memref<1x1x2x80xi32, #tpu.memory_space<hbm>> -> memref<2x80xi32, #tpu.memory_space<hbm>>
    tpu.enqueue_dma source(%dma_start3A_37 : memref<2x80xi32, #tpu.memory_space<hbm>>) target(%arg9 : memref<2x80xi32, #tpu.memory_space<vmem>>) target_semaphore(%arg19 : memref<!tpu.dma_semaphore, #tpu.memory_space<semaphore_mem>>)
    %dma_wait3A = arith.constant 0 : i32
    %dma_wait3A_38 = arith.constant 0 : i32
    %dma_wait3A_39 = arith.constant 0 : i32
    %dma_wait3A_40 = arith.constant 0 : i32
    %dma_wait3A_41 = tpu.memref_slice %arg3[%dma_wait3A, %dma_wait3A_38, %dma_wait3A_39, %dma_wait3A_40] : memref<32x126x2x80xi32, #tpu.memory_space<hbm>> -> memref<1x1x2x80xi32, #tpu.memory_space<hbm>>
    %dma_wait3A_42 = tpu.memref_squeeze %dma_wait3A_41 : memref<1x1x2x80xi32, #tpu.memory_space<hbm>> -> memref<2x80xi32, #tpu.memory_space<hbm>>
    %dma_wait3A_43 = arith.constant 0 : i32
    %dma_wait3A_44 = arith.constant 0 : i32
    %dma_wait3A_45 = tpu.memref_slice %arg3[%dma_wait3A, %dma_wait3A_38, %dma_wait3A_43, %dma_wait3A_44] : memref<32x126x2x80xi32, #tpu.memory_space<hbm>> -> memref<1x1x2x80xi32, #tpu.memory_space<hbm>>
    %dma_wait3A_46 = tpu.memref_squeeze %dma_wait3A_45 : memref<1x1x2x80xi32, #tpu.memory_space<hbm>> -> memref<2x80xi32, #tpu.memory_space<hbm>>
    tpu.wait_dma2 semaphore(%arg16 : memref<!tpu.dma_semaphore, #tpu.memory_space<semaphore_mem>>) src(%dma_wait3A_46 : memref<2x80xi32, #tpu.memory_space<hbm>>) dst(%arg6 : memref<2x80xi32, #tpu.memory_space<vmem>>)
    %dma_start3A_47 = arith.constant 0 : i32
    %dma_start3A_48 = arith.constant 0 : i32
    %dma_start3A_49 = tpu.memref_slice %arg6[%dma_start3A_47, %dma_start3A_48] : memref<2x80xi32, #tpu.memory_space<vmem>> -> memref<1x80xi32, #tpu.memory_space<vmem>>
    %dma_start3A_50 = tpu.memref_squeeze %dma_start3A_49 : memref<1x80xi32, #tpu.memory_space<vmem>> -> memref<80xi32, #tpu.memory_space<vmem>>
    %dma_start3A_51 = arith.constant 0 : i32
    %dma_start3A_52 = arith.constant 0 : i32
    %dma_start3A_53 = tpu.memref_slice %arg2[%dma_start3A_51, %dma_start3A_52] : memref<10000x128xf32, #tpu.memory_space<hbm>> -> memref<10000x128xf32, #tpu.memory_space<hbm>>
    tpu.enqueue_indirect_dma source(%dma_start3A_53 : memref<10000x128xf32, #tpu.memory_space<hbm>>) target(%arg12 : memref<80x128xf32, #tpu.memory_space<vmem>>) offsets(%dma_start3A_50 : memref<80xi32, #tpu.memory_space<vmem>>) semaphore(%arg22 : memref<!tpu.dma_semaphore, #tpu.memory_space<semaphore_mem>>)
    %dma_start3A_54 = arith.constant 4 : i32
    %dma_start3A_55 = arith.constant 0 : i32
    %dma_start3A_56 = arith.constant 0 : i32
    %dma_start3A_57 = tpu.memref_slice %arg3[%add3A, %dma_start3A_54, %dma_start3A_55, %dma_start3A_56] : memref<32x126x2x80xi32, #tpu.memory_space<hbm>> -> memref<1x1x2x80xi32, #tpu.memory_space<hbm>>
    %dma_start3A_58 = tpu.memref_squeeze %dma_start3A_57 : memref<1x1x2x80xi32, #tpu.memory_space<hbm>> -> memref<2x80xi32, #tpu.memory_space<hbm>>
    %dma_start3A_59 = arith.constant 0 : i32
    %dma_start3A_60 = arith.constant 0 : i32
    %dma_start3A_61 = tpu.memref_slice %arg3[%add3A, %dma_start3A_54, %dma_start3A_59, %dma_start3A_60] : memref<32x126x2x80xi32, #tpu.memory_space<hbm>> -> memref<1x1x2x80xi32, #tpu.memory_space<hbm>>
    %dma_start3A_62 = tpu.memref_squeeze %dma_start3A_61 : memref<1x1x2x80xi32, #tpu.memory_space<hbm>> -> memref<2x80xi32, #tpu.memory_space<hbm>>
    tpu.enqueue_dma source(%dma_start3A_62 : memref<2x80xi32, #tpu.memory_space<hbm>>) target(%arg10 : memref<2x80xi32, #tpu.memory_space<vmem>>) target_semaphore(%arg20 : memref<!tpu.dma_semaphore, #tpu.memory_space<semaphore_mem>>)
    %dma_wait3A_63 = arith.constant 0 : i32
    %dma_wait3A_64 = arith.constant 0 : i32
    %dma_wait3A_65 = tpu.memref_slice %arg2[%dma_wait3A_63, %dma_wait3A_64] : memref<10000x128xf32, #tpu.memory_space<hbm>> -> memref<80x128xf32, #tpu.memory_space<hbm>>
    %dma_wait3A_66 = arith.constant 0 : i32
    %dma_wait3A_67 = arith.constant 0 : i32
    %dma_wait3A_68 = tpu.memref_slice %arg2[%dma_wait3A_66, %dma_wait3A_67] : memref<10000x128xf32, #tpu.memory_space<hbm>> -> memref<80x128xf32, #tpu.memory_space<hbm>>
    tpu.wait_dma2 semaphore(%arg22 : memref<!tpu.dma_semaphore, #tpu.memory_space<semaphore_mem>>) src(%dma_wait3A_68 : memref<80x128xf32, #tpu.memory_space<hbm>>) dst(%arg12 : memref<80x128xf32, #tpu.memory_space<vmem>>)
    %dma_start3A_69 = arith.constant 1 : i32
    %dma_start3A_70 = arith.constant 0 : i32
    %dma_start3A_71 = tpu.memref_slice %arg6[%dma_start3A_69, %dma_start3A_70] : memref<2x80xi32, #tpu.memory_space<vmem>> -> memref<1x80xi32, #tpu.memory_space<vmem>>
    %dma_start3A_72 = tpu.memref_squeeze %dma_start3A_71 : memref<1x80xi32, #tpu.memory_space<vmem>> -> memref<80xi32, #tpu.memory_space<vmem>>
    %dma_start3A_73 = arith.constant 0 : i32
    %dma_start3A_74 = arith.constant 0 : i32
    %dma_start3A_75 = tpu.memref_slice %arg15[%dma_start3A_73, %dma_start3A_74] : memref<10240x128xf32, #tpu.memory_space<vmem_shared>> -> memref<10240x128xf32, #tpu.memory_space<vmem_shared>>
    tpu.enqueue_indirect_dma source(%arg12 : memref<80x128xf32, #tpu.memory_space<vmem>>) target(%dma_start3A_75 : memref<10240x128xf32, #tpu.memory_space<vmem_shared>>) offsets(%dma_start3A_72 : memref<80xi32, #tpu.memory_space<vmem>>) semaphore(%arg25 : memref<!tpu.dma_semaphore, #tpu.memory_space<semaphore_mem>>) {add = true}
    %dma_wait3A_76 = arith.constant 0 : i32
    %dma_wait3A_77 = arith.constant 0 : i32
    %dma_wait3A_78 = arith.constant 0 : i32
    %dma_wait3A_79 = arith.constant 0 : i32
    %dma_wait3A_80 = tpu.memref_slice %arg3[%dma_wait3A_76, %dma_wait3A_77, %dma_wait3A_78, %dma_wait3A_79] : memref<32x126x2x80xi32, #tpu.memory_space<hbm>> -> memref<1x1x2x80xi32, #tpu.memory_space<hbm>>
    %dma_wait3A_81 = tpu.memref_squeeze %dma_wait3A_80 : memref<1x1x2x80xi32, #tpu.memory_space<hbm>> -> memref<2x80xi32, #tpu.memory_space<hbm>>
    %dma_wait3A_82 = arith.constant 0 : i32
    %dma_wait3A_83 = arith.constant 0 : i32
    %dma_wait3A_84 = tpu.memref_slice %arg3[%dma_wait3A_76, %dma_wait3A_77, %dma_wait3A_82, %dma_wait3A_83] : memref<32x126x2x80xi32, #tpu.memory_space<hbm>> -> memref<1x1x2x80xi32, #tpu.memory_space<hbm>>
    %dma_wait3A_85 = tpu.memref_squeeze %dma_wait3A_84 : memref<1x1x2x80xi32, #tpu.memory_space<hbm>> -> memref<2x80xi32, #tpu.memory_space<hbm>>
    tpu.wait_dma2 semaphore(%arg17 : memref<!tpu.dma_semaphore, #tpu.memory_space<semaphore_mem>>) src(%dma_wait3A_85 : memref<2x80xi32, #tpu.memory_space<hbm>>) dst(%arg7 : memref<2x80xi32, #tpu.memory_space<vmem>>)
    %dma_start3A_86 = arith.constant 0 : i32
    %dma_start3A_87 = arith.constant 0 : i32
    %dma_start3A_88 = tpu.memref_slice %arg7[%dma_start3A_86, %dma_start3A_87] : memref<2x80xi32, #tpu.memory_space<vmem>> -> memref<1x80xi32, #tpu.memory_space<vmem>>
    %dma_start3A_89 = tpu.memref_squeeze %dma_start3A_88 : memref<1x80xi32, #tpu.memory_space<vmem>> -> memref<80xi32, #tpu.memory_space<vmem>>
    %dma_start3A_90 = arith.constant 0 : i32
    %dma_start3A_91 = arith.constant 0 : i32
    %dma_start3A_92 = tpu.memref_slice %arg2[%dma_start3A_90, %dma_start3A_91] : memref<10000x128xf32, #tpu.memory_space<hbm>> -> memref<10000x128xf32, #tpu.memory_space<hbm>>
    tpu.enqueue_indirect_dma source(%dma_start3A_92 : memref<10000x128xf32, #tpu.memory_space<hbm>>) target(%arg13 : memref<80x128xf32, #tpu.memory_space<vmem>>) offsets(%dma_start3A_89 : memref<80xi32, #tpu.memory_space<vmem>>) semaphore(%arg23 : memref<!tpu.dma_semaphore, #tpu.memory_space<semaphore_mem>>)
    %dma_start3A_93 = arith.constant 5 : i32
    %dma_start3A_94 = arith.constant 0 : i32
    %dma_start3A_95 = arith.constant 0 : i32
    %dma_start3A_96 = tpu.memref_slice %arg3[%add3A, %dma_start3A_93, %dma_start3A_94, %dma_start3A_95] : memref<32x126x2x80xi32, #tpu.memory_space<hbm>> -> memref<1x1x2x80xi32, #tpu.memory_space<hbm>>
    %dma_start3A_97 = tpu.memref_squeeze %dma_start3A_96 : memref<1x1x2x80xi32, #tpu.memory_space<hbm>> -> memref<2x80xi32, #tpu.memory_space<hbm>>
    %dma_start3A_98 = arith.constant 0 : i32
    %dma_start3A_99 = arith.constant 0 : i32
    %dma_start3A_100 = tpu.memref_slice %arg3[%add3A, %dma_start3A_93, %dma_start3A_98, %dma_start3A_99] : memref<32x126x2x80xi32, #tpu.memory_space<hbm>> -> memref<1x1x2x80xi32, #tpu.memory_space<hbm>>
    %dma_start3A_101 = tpu.memref_squeeze %dma_start3A_100 : memref<1x1x2x80xi32, #tpu.memory_space<hbm>> -> memref<2x80xi32, #tpu.memory_space<hbm>>
    tpu.enqueue_dma source(%dma_start3A_101 : memref<2x80xi32, #tpu.memory_space<hbm>>) target(%arg11 : memref<2x80xi32, #tpu.memory_space<vmem>>) target_semaphore(%arg21 : memref<!tpu.dma_semaphore, #tpu.memory_space<semaphore_mem>>)
    %dma_wait3A_102 = arith.constant 0 : i32
    %dma_wait3A_103 = arith.constant 0 : i32
    %dma_wait3A_104 = tpu.memref_slice %arg2[%dma_wait3A_102, %dma_wait3A_103] : memref<10000x128xf32, #tpu.memory_space<hbm>> -> memref<80x128xf32, #tpu.memory_space<hbm>>
    %dma_wait3A_105 = arith.constant 0 : i32
    %dma_wait3A_106 = arith.constant 0 : i32
    %dma_wait3A_107 = tpu.memref_slice %arg2[%dma_wait3A_105, %dma_wait3A_106] : memref<10000x128xf32, #tpu.memory_space<hbm>> -> memref<80x128xf32, #tpu.memory_space<hbm>>
    tpu.wait_dma2 semaphore(%arg23 : memref<!tpu.dma_semaphore, #tpu.memory_space<semaphore_mem>>) src(%dma_wait3A_107 : memref<80x128xf32, #tpu.memory_space<hbm>>) dst(%arg13 : memref<80x128xf32, #tpu.memory_space<vmem>>)
    %dma_start3A_108 = arith.constant 1 : i32
    %dma_start3A_109 = arith.constant 0 : i32
    %dma_start3A_110 = tpu.memref_slice %arg7[%dma_start3A_108, %dma_start3A_109] : memref<2x80xi32, #tpu.memory_space<vmem>> -> memref<1x80xi32, #tpu.memory_space<vmem>>
    %dma_start3A_111 = tpu.memref_squeeze %dma_start3A_110 : memref<1x80xi32, #tpu.memory_space<vmem>> -> memref<80xi32, #tpu.memory_space<vmem>>
    %dma_start3A_112 = arith.constant 0 : i32
    %dma_start3A_113 = arith.constant 0 : i32
    %dma_start3A_114 = tpu.memref_slice %arg15[%dma_start3A_112, %dma_start3A_113] : memref<10240x128xf32, #tpu.memory_space<vmem_shared>> -> memref<10240x128xf32, #tpu.memory_space<vmem_shared>>
    tpu.enqueue_indirect_dma source(%arg13 : memref<80x128xf32, #tpu.memory_space<vmem>>) target(%dma_start3A_114 : memref<10240x128xf32, #tpu.memory_space<vmem_shared>>) offsets(%dma_start3A_111 : memref<80xi32, #tpu.memory_space<vmem>>) semaphore(%arg26 : memref<!tpu.dma_semaphore, #tpu.memory_space<semaphore_mem>>) {add = true}
    %dma_wait3A_115 = arith.constant 0 : i32
    %dma_wait3A_116 = arith.constant 0 : i32
    %dma_wait3A_117 = arith.constant 0 : i32
    %dma_wait3A_118 = arith.constant 0 : i32
    %dma_wait3A_119 = tpu.memref_slice %arg3[%dma_wait3A_115, %dma_wait3A_116, %dma_wait3A_117, %dma_wait3A_118] : memref<32x126x2x80xi32, #tpu.memory_space<hbm>> -> memref<1x1x2x80xi32, #tpu.memory_space<hbm>>
    %dma_wait3A_120 = tpu.memref_squeeze %dma_wait3A_119 : memref<1x1x2x80xi32, #tpu.memory_space<hbm>> -> memref<2x80xi32, #tpu.memory_space<hbm>>
    %dma_wait3A_121 = arith.constant 0 : i32
    %dma_wait3A_122 = arith.constant 0 : i32
    %dma_wait3A_123 = tpu.memref_slice %arg3[%dma_wait3A_115, %dma_wait3A_116, %dma_wait3A_121, %dma_wait3A_122] : memref<32x126x2x80xi32, #tpu.memory_space<hbm>> -> memref<1x1x2x80xi32, #tpu.memory_space<hbm>>
    %dma_wait3A_124 = tpu.memref_squeeze %dma_wait3A_123 : memref<1x1x2x80xi32, #tpu.memory_space<hbm>> -> memref<2x80xi32, #tpu.memory_space<hbm>>
    tpu.wait_dma2 semaphore(%arg18 : memref<!tpu.dma_semaphore, #tpu.memory_space<semaphore_mem>>) src(%dma_wait3A_124 : memref<2x80xi32, #tpu.memory_space<hbm>>) dst(%arg8 : memref<2x80xi32, #tpu.memory_space<vmem>>)
    %dma_start3A_125 = arith.constant 0 : i32
    %dma_start3A_126 = arith.constant 0 : i32
    %dma_start3A_127 = tpu.memref_slice %arg8[%dma_start3A_125, %dma_start3A_126] : memref<2x80xi32, #tpu.memory_space<vmem>> -> memref<1x80xi32, #tpu.memory_space<vmem>>
    %dma_start3A_128 = tpu.memref_squeeze %dma_start3A_127 : memref<1x80xi32, #tpu.memory_space<vmem>> -> memref<80xi32, #tpu.memory_space<vmem>>
    %dma_start3A_129 = arith.constant 0 : i32
    %dma_start3A_130 = arith.constant 0 : i32
    %dma_start3A_131 = tpu.memref_slice %arg2[%dma_start3A_129, %dma_start3A_130] : memref<10000x128xf32, #tpu.memory_space<hbm>> -> memref<10000x128xf32, #tpu.memory_space<hbm>>
    tpu.enqueue_indirect_dma source(%dma_start3A_131 : memref<10000x128xf32, #tpu.memory_space<hbm>>) target(%arg14 : memref<80x128xf32, #tpu.memory_space<vmem>>) offsets(%dma_start3A_128 : memref<80xi32, #tpu.memory_space<vmem>>) semaphore(%arg24 : memref<!tpu.dma_semaphore, #tpu.memory_space<semaphore_mem>>)
    %dma_wait3A_132 = arith.constant 0 : i32
    %dma_wait3A_133 = arith.constant 0 : i32
    %dma_wait3A_134 = tpu.memref_slice %arg2[%dma_wait3A_132, %dma_wait3A_133] : memref<10000x128xf32, #tpu.memory_space<hbm>> -> memref<80x128xf32, #tpu.memory_space<hbm>>
    %dma_wait3A_135 = arith.constant 0 : i32
    %dma_wait3A_136 = arith.constant 0 : i32
    %dma_wait3A_137 = tpu.memref_slice %arg2[%dma_wait3A_135, %dma_wait3A_136] : memref<10000x128xf32, #tpu.memory_space<hbm>> -> memref<80x128xf32, #tpu.memory_space<hbm>>
    tpu.wait_dma2 semaphore(%arg25 : memref<!tpu.dma_semaphore, #tpu.memory_space<semaphore_mem>>) src(%dma_wait3A_137 : memref<80x128xf32, #tpu.memory_space<hbm>>) dst(%arg12 : memref<80x128xf32, #tpu.memory_space<vmem>>)
    %dma_start3A_138 = arith.constant 6 : i32
    %dma_start3A_139 = arith.constant 0 : i32
    %dma_start3A_140 = arith.constant 0 : i32
    %dma_start3A_141 = tpu.memref_slice %arg3[%add3A, %dma_start3A_138, %dma_start3A_139, %dma_start3A_140] : memref<32x126x2x80xi32, #tpu.memory_space<hbm>> -> memref<1x1x2x80xi32, #tpu.memory_space<hbm>>
    %dma_start3A_142 = tpu.memref_squeeze %dma_start3A_141 : memref<1x1x2x80xi32, #tpu.memory_space<hbm>> -> memref<2x80xi32, #tpu.memory_space<hbm>>
    %dma_start3A_143 = arith.constant 0 : i32
    %dma_start3A_144 = arith.constant 0 : i32
    %dma_start3A_145 = tpu.memref_slice %arg3[%add3A, %dma_start3A_138, %dma_start3A_143, %dma_start3A_144] : memref<32x126x2x80xi32, #tpu.memory_space<hbm>> -> memref<1x1x2x80xi32, #tpu.memory_space<hbm>>
    %dma_start3A_146 = tpu.memref_squeeze %dma_start3A_145 : memref<1x1x2x80xi32, #tpu.memory_space<hbm>> -> memref<2x80xi32, #tpu.memory_space<hbm>>
    tpu.enqueue_dma source(%dma_start3A_146 : memref<2x80xi32, #tpu.memory_space<hbm>>) target(%arg6 : memref<2x80xi32, #tpu.memory_space<vmem>>) target_semaphore(%arg16 : memref<!tpu.dma_semaphore, #tpu.memory_space<semaphore_mem>>)
    %dma_wait3A_147 = arith.constant 0 : i32
    %dma_wait3A_148 = arith.constant 0 : i32
    %dma_wait3A_149 = tpu.memref_slice %arg2[%dma_wait3A_147, %dma_wait3A_148] : memref<10000x128xf32, #tpu.memory_space<hbm>> -> memref<80x128xf32, #tpu.memory_space<hbm>>
    %dma_wait3A_150 = arith.constant 0 : i32
    %dma_wait3A_151 = arith.constant 0 : i32
    %dma_wait3A_152 = tpu.memref_slice %arg2[%dma_wait3A_150, %dma_wait3A_151] : memref<10000x128xf32, #tpu.memory_space<hbm>> -> memref<80x128xf32, #tpu.memory_space<hbm>>
    tpu.wait_dma2 semaphore(%arg24 : memref<!tpu.dma_semaphore, #tpu.memory_space<semaphore_mem>>) src(%dma_wait3A_152 : memref<80x128xf32, #tpu.memory_space<hbm>>) dst(%arg14 : memref<80x128xf32, #tpu.memory_space<vmem>>)
    %dma_start3A_153 = arith.constant 1 : i32
    %dma_start3A_154 = arith.constant 0 : i32
    %dma_start3A_155 = tpu.memref_slice %arg8[%dma_start3A_153, %dma_start3A_154] : memref<2x80xi32, #tpu.memory_space<vmem>> -> memref<1x80xi32, #tpu.memory_space<vmem>>
    %dma_start3A_156 = tpu.memref_squeeze %dma_start3A_155 : memref<1x80xi32, #tpu.memory_space<vmem>> -> memref<80xi32, #tpu.memory_space<vmem>>
    %dma_start3A_157 = arith.constant 0 : i32
    %dma_start3A_158 = arith.constant 0 : i32
    %dma_start3A_159 = tpu.memref_slice %arg15[%dma_start3A_157, %dma_start3A_158] : memref<10240x128xf32, #tpu.memory_space<vmem_shared>> -> memref<10240x128xf32, #tpu.memory_space<vmem_shared>>
    tpu.enqueue_indirect_dma source(%arg14 : memref<80x128xf32, #tpu.memory_space<vmem>>) target(%dma_start3A_159 : memref<10240x128xf32, #tpu.memory_space<vmem_shared>>) offsets(%dma_start3A_156 : memref<80xi32, #tpu.memory_space<vmem>>) semaphore(%arg27 : memref<!tpu.dma_semaphore, #tpu.memory_space<semaphore_mem>>) {add = true}
    %dma_wait3A_160 = arith.constant 0 : i32
    %dma_wait3A_161 = arith.constant 0 : i32
    %dma_wait3A_162 = arith.constant 0 : i32
    %dma_wait3A_163 = arith.constant 0 : i32
    %dma_wait3A_164 = tpu.memref_slice %arg3[%dma_wait3A_160, %dma_wait3A_161, %dma_wait3A_162, %dma_wait3A_163] : memref<32x126x2x80xi32, #tpu.memory_space<hbm>> -> memref<1x1x2x80xi32, #tpu.memory_space<hbm>>
    %dma_wait3A_165 = tpu.memref_squeeze %dma_wait3A_164 : memref<1x1x2x80xi32, #tpu.memory_space<hbm>> -> memref<2x80xi32, #tpu.memory_space<hbm>>
    %dma_wait3A_166 = arith.constant 0 : i32
    %dma_wait3A_167 = arith.constant 0 : i32
    %dma_wait3A_168 = tpu.memref_slice %arg3[%dma_wait3A_160, %dma_wait3A_161, %dma_wait3A_166, %dma_wait3A_167] : memref<32x126x2x80xi32, #tpu.memory_space<hbm>> -> memref<1x1x2x80xi32, #tpu.memory_space<hbm>>
    %dma_wait3A_169 = tpu.memref_squeeze %dma_wait3A_168 : memref<1x1x2x80xi32, #tpu.memory_space<hbm>> -> memref<2x80xi32, #tpu.memory_space<hbm>>
    tpu.wait_dma2 semaphore(%arg19 : memref<!tpu.dma_semaphore, #tpu.memory_space<semaphore_mem>>) src(%dma_wait3A_169 : memref<2x80xi32, #tpu.memory_space<hbm>>) dst(%arg9 : memref<2x80xi32, #tpu.memory_space<vmem>>)
    %dma_start3A_170 = arith.constant 0 : i32
    %dma_start3A_171 = arith.constant 0 : i32
    %dma_start3A_172 = tpu.memref_slice %arg9[%dma_start3A_170, %dma_start3A_171] : memref<2x80xi32, #tpu.memory_space<vmem>> -> memref<1x80xi32, #tpu.memory_space<vmem>>
    %dma_start3A_173 = tpu.memref_squeeze %dma_start3A_172 : memref<1x80xi32, #tpu.memory_space<vmem>> -> memref<80xi32, #tpu.memory_space<vmem>>
    %dma_start3A_174 = arith.constant 0 : i32
    %dma_start3A_175 = arith.constant 0 : i32
    %dma_start3A_176 = tpu.memref_slice %arg2[%dma_start3A_174, %dma_start3A_175] : memref<10000x128xf32, #tpu.memory_space<hbm>> -> memref<10000x128xf32, #tpu.memory_space<hbm>>
    tpu.enqueue_indirect_dma source(%dma_start3A_176 : memref<10000x128xf32, #tpu.memory_space<hbm>>) target(%arg12 : memref<80x128xf32, #tpu.memory_space<vmem>>) offsets(%dma_start3A_173 : memref<80xi32, #tpu.memory_space<vmem>>) semaphore(%arg22 : memref<!tpu.dma_semaphore, #tpu.memory_space<semaphore_mem>>)
    %dma_wait3A_177 = arith.constant 0 : i32
    %dma_wait3A_178 = arith.constant 0 : i32
    %dma_wait3A_179 = tpu.memref_slice %arg2[%dma_wait3A_177, %dma_wait3A_178] : memref<10000x128xf32, #tpu.memory_space<hbm>> -> memref<80x128xf32, #tpu.memory_space<hbm>>
    %dma_wait3A_180 = arith.constant 0 : i32
    %dma_wait3A_181 = arith.constant 0 : i32
    %dma_wait3A_182 = tpu.memref_slice %arg2[%dma_wait3A_180, %dma_wait3A_181] : memref<10000x128xf32, #tpu.memory_space<hbm>> -> memref<80x128xf32, #tpu.memory_space<hbm>>
    tpu.wait_dma2 semaphore(%arg26 : memref<!tpu.dma_semaphore, #tpu.memory_space<semaphore_mem>>) src(%dma_wait3A_182 : memref<80x128xf32, #tpu.memory_space<hbm>>) dst(%arg13 : memref<80x128xf32, #tpu.memory_space<vmem>>)
    %dma_start3A_183 = arith.constant 7 : i32
    %dma_start3A_184 = arith.constant 0 : i32
    %dma_start3A_185 = arith.constant 0 : i32
    %dma_start3A_186 = tpu.memref_slice %arg3[%add3A, %dma_start3A_183, %dma_start3A_184, %dma_start3A_185] : memref<32x126x2x80xi32, #tpu.memory_space<hbm>> -> memref<1x1x2x80xi32, #tpu.memory_space<hbm>>
    %dma_start3A_187 = tpu.memref_squeeze %dma_start3A_186 : memref<1x1x2x80xi32, #tpu.memory_space<hbm>> -> memref<2x80xi32, #tpu.memory_space<hbm>>
    %dma_start3A_188 = arith.constant 0 : i32
    %dma_start3A_189 = arith.constant 0 : i32
    %dma_start3A_190 = tpu.memref_slice %arg3[%add3A, %dma_start3A_183, %dma_start3A_188, %dma_start3A_189] : memref<32x126x2x80xi32, #tpu.memory_space<hbm>> -> memref<1x1x2x80xi32, #tpu.memory_space<hbm>>
    %dma_start3A_191 = tpu.memref_squeeze %dma_start3A_190 : memref<1x1x2x80xi32, #tpu.memory_space<hbm>> -> memref<2x80xi32, #tpu.memory_space<hbm>>
    tpu.enqueue_dma source(%dma_start3A_191 : memref<2x80xi32, #tpu.memory_space<hbm>>) target(%arg7 : memref<2x80xi32, #tpu.memory_space<vmem>>) target_semaphore(%arg17 : memref<!tpu.dma_semaphore, #tpu.memory_space<semaphore_mem>>)
    %dma_wait3A_192 = arith.constant 0 : i32
    %dma_wait3A_193 = arith.constant 0 : i32
    %dma_wait3A_194 = tpu.memref_slice %arg2[%dma_wait3A_192, %dma_wait3A_193] : memref<10000x128xf32, #tpu.memory_space<hbm>> -> memref<80x128xf32, #tpu.memory_space<hbm>>
    %dma_wait3A_195 = arith.constant 0 : i32
    %dma_wait3A_196 = arith.constant 0 : i32
    %dma_wait3A_197 = tpu.memref_slice %arg2[%dma_wait3A_195, %dma_wait3A_196] : memref<10000x128xf32, #tpu.memory_space<hbm>> -> memref<80x128xf32, #tpu.memory_space<hbm>>
    tpu.wait_dma2 semaphore(%arg22 : memref<!tpu.dma_semaphore, #tpu.memory_space<semaphore_mem>>) src(%dma_wait3A_197 : memref<80x128xf32, #tpu.memory_space<hbm>>) dst(%arg12 : memref<80x128xf32, #tpu.memory_space<vmem>>)
    %dma_start3A_198 = arith.constant 1 : i32
    %dma_start3A_199 = arith.constant 0 : i32
    %dma_start3A_200 = tpu.memref_slice %arg9[%dma_start3A_198, %dma_start3A_199] : memref<2x80xi32, #tpu.memory_space<vmem>> -> memref<1x80xi32, #tpu.memory_space<vmem>>
    %dma_start3A_201 = tpu.memref_squeeze %dma_start3A_200 : memref<1x80xi32, #tpu.memory_space<vmem>> -> memref<80xi32, #tpu.memory_space<vmem>>
    %dma_start3A_202 = arith.constant 0 : i32
    %dma_start3A_203 = arith.constant 0 : i32
    %dma_start3A_204 = tpu.memref_slice %arg15[%dma_start3A_202, %dma_start3A_203] : memref<10240x128xf32, #tpu.memory_space<vmem_shared>> -> memref<10240x128xf32, #tpu.memory_space<vmem_shared>>
    tpu.enqueue_indirect_dma source(%arg12 : memref<80x128xf32, #tpu.memory_space<vmem>>) target(%dma_start3A_204 : memref<10240x128xf32, #tpu.memory_space<vmem_shared>>) offsets(%dma_start3A_201 : memref<80xi32, #tpu.memory_space<vmem>>) semaphore(%arg25 : memref<!tpu.dma_semaphore, #tpu.memory_space<semaphore_mem>>) {add = true}
    %dma_wait3A_205 = arith.constant 0 : i32
    %dma_wait3A_206 = arith.constant 0 : i32
    %dma_wait3A_207 = arith.constant 0 : i32
    %dma_wait3A_208 = arith.constant 0 : i32
    %dma_wait3A_209 = tpu.memref_slice %arg3[%dma_wait3A_205, %dma_wait3A_206, %dma_wait3A_207, %dma_wait3A_208] : memref<32x126x2x80xi32, #tpu.memory_space<hbm>> -> memref<1x1x2x80xi32, #tpu.memory_space<hbm>>
    %dma_wait3A_210 = tpu.memref_squeeze %dma_wait3A_209 : memref<1x1x2x80xi32, #tpu.memory_space<hbm>> -> memref<2x80xi32, #tpu.memory_space<hbm>>
    %dma_wait3A_211 = arith.constant 0 : i32
    %dma_wait3A_212 = arith.constant 0 : i32
    %dma_wait3A_213 = tpu.memref_slice %arg3[%dma_wait3A_205, %dma_wait3A_206, %dma_wait3A_211, %dma_wait3A_212] : memref<32x126x2x80xi32, #tpu.memory_space<hbm>> -> memref<1x1x2x80xi32, #tpu.memory_space<hbm>>
    %dma_wait3A_214 = tpu.memref_squeeze %dma_wait3A_213 : memref<1x1x2x80xi32, #tpu.memory_space<hbm>> -> memref<2x80xi32, #tpu.memory_space<hbm>>
    tpu.wait_dma2 semaphore(%arg20 : memref<!tpu.dma_semaphore, #tpu.memory_space<semaphore_mem>>) src(%dma_wait3A_214 : memref<2x80xi32, #tpu.memory_space<hbm>>) dst(%arg10 : memref<2x80xi32, #tpu.memory_space<vmem>>)
    %dma_start3A_215 = arith.constant 0 : i32
    %dma_start3A_216 = arith.constant 0 : i32
    %dma_start3A_217 = tpu.memref_slice %arg10[%dma_start3A_215, %dma_start3A_216] : memref<2x80xi32, #tpu.memory_space<vmem>> -> memref<1x80xi32, #tpu.memory_space<vmem>>
    %dma_start3A_218 = tpu.memref_squeeze %dma_start3A_217 : memref<1x80xi32, #tpu.memory_space<vmem>> -> memref<80xi32, #tpu.memory_space<vmem>>
    %dma_start3A_219 = arith.constant 0 : i32
    %dma_start3A_220 = arith.constant 0 : i32
    %dma_start3A_221 = tpu.memref_slice %arg2[%dma_start3A_219, %dma_start3A_220] : memref<10000x128xf32, #tpu.memory_space<hbm>> -> memref<10000x128xf32, #tpu.memory_space<hbm>>
    tpu.enqueue_indirect_dma source(%dma_start3A_221 : memref<10000x128xf32, #tpu.memory_space<hbm>>) target(%arg13 : memref<80x128xf32, #tpu.memory_space<vmem>>) offsets(%dma_start3A_218 : memref<80xi32, #tpu.memory_space<vmem>>) semaphore(%arg23 : memref<!tpu.dma_semaphore, #tpu.memory_space<semaphore_mem>>)
    %dma_wait3A_222 = arith.constant 0 : i32
    %dma_wait3A_223 = arith.constant 0 : i32
    %dma_wait3A_224 = tpu.memref_slice %arg2[%dma_wait3A_222, %dma_wait3A_223] : memref<10000x128xf32, #tpu.memory_space<hbm>> -> memref<80x128xf32, #tpu.memory_space<hbm>>
    %dma_wait3A_225 = arith.constant 0 : i32
    %dma_wait3A_226 = arith.constant 0 : i32
    %dma_wait3A_227 = tpu.memref_slice %arg2[%dma_wait3A_225, %dma_wait3A_226] : memref<10000x128xf32, #tpu.memory_space<hbm>> -> memref<80x128xf32, #tpu.memory_space<hbm>>
    tpu.wait_dma2 semaphore(%arg27 : memref<!tpu.dma_semaphore, #tpu.memory_space<semaphore_mem>>) src(%dma_wait3A_227 : memref<80x128xf32, #tpu.memory_space<hbm>>) dst(%arg14 : memref<80x128xf32, #tpu.memory_space<vmem>>)
    %dma_start3A_228 = arith.constant 8 : i32
    %dma_start3A_229 = arith.constant 0 : i32
    %dma_start3A_230 = arith.constant 0 : i32
    %dma_start3A_231 = tpu.memref_slice %arg3[%add3A, %dma_start3A_228, %dma_start3A_229, %dma_start3A_230] : memref<32x126x2x80xi32, #tpu.memory_space<hbm>> -> memref<1x1x2x80xi32, #tpu.memory_space<hbm>>
    %dma_start3A_232 = tpu.memref_squeeze %dma_start3A_231 : memref<1x1x2x80xi32, #tpu.memory_space<hbm>> -> memref<2x80xi32, #tpu.memory_space<hbm>>
    %dma_start3A_233 = arith.constant 0 : i32
    %dma_start3A_234 = arith.constant 0 : i32
    %dma_start3A_235 = tpu.memref_slice %arg3[%add3A, %dma_start3A_228, %dma_start3A_233, %dma_start3A_234] : memref<32x126x2x80xi32, #tpu.memory_space<hbm>> -> memref<1x1x2x80xi32, #tpu.memory_space<hbm>>
    %dma_start3A_236 = tpu.memref_squeeze %dma_start3A_235 : memref<1x1x2x80xi32, #tpu.memory_space<hbm>> -> memref<2x80xi32, #tpu.memory_space<hbm>>
    tpu.enqueue_dma source(%dma_start3A_236 : memref<2x80xi32, #tpu.memory_space<hbm>>) target(%arg8 : memref<2x80xi32, #tpu.memory_space<vmem>>) target_semaphore(%arg18 : memref<!tpu.dma_semaphore, #tpu.memory_space<semaphore_mem>>)
    %dma_wait3A_237 = arith.constant 0 : i32
    %dma_wait3A_238 = arith.constant 0 : i32
    %dma_wait3A_239 = tpu.memref_slice %arg2[%dma_wait3A_237, %dma_wait3A_238] : memref<10000x128xf32, #tpu.memory_space<hbm>> -> memref<80x128xf32, #tpu.memory_space<hbm>>
    %dma_wait3A_240 = arith.constant 0 : i32
    %dma_wait3A_241 = arith.constant 0 : i32
    %dma_wait3A_242 = tpu.memref_slice %arg2[%dma_wait3A_240, %dma_wait3A_241] : memref<10000x128xf32, #tpu.memory_space<hbm>> -> memref<80x128xf32, #tpu.memory_space<hbm>>
    tpu.wait_dma2 semaphore(%arg23 : memref<!tpu.dma_semaphore, #tpu.memory_space<semaphore_mem>>) src(%dma_wait3A_242 : memref<80x128xf32, #tpu.memory_space<hbm>>) dst(%arg13 : memref<80x128xf32, #tpu.memory_space<vmem>>)
    %dma_start3A_243 = arith.constant 1 : i32
    %dma_start3A_244 = arith.constant 0 : i32
    %dma_start3A_245 = tpu.memref_slice %arg10[%dma_start3A_243, %dma_start3A_244] : memref<2x80xi32, #tpu.memory_space<vmem>> -> memref<1x80xi32, #tpu.memory_space<vmem>>
    %dma_start3A_246 = tpu.memref_squeeze %dma_start3A_245 : memref<1x80xi32, #tpu.memory_space<vmem>> -> memref<80xi32, #tpu.memory_space<vmem>>
    %dma_start3A_247 = arith.constant 0 : i32
    %dma_start3A_248 = arith.constant 0 : i32
    %dma_start3A_249 = tpu.memref_slice %arg15[%dma_start3A_247, %dma_start3A_248] : memref<10240x128xf32, #tpu.memory_space<vmem_shared>> -> memref<10240x128xf32, #tpu.memory_space<vmem_shared>>
    tpu.enqueue_indirect_dma source(%arg13 : memref<80x128xf32, #tpu.memory_space<vmem>>) target(%dma_start3A_249 : memref<10240x128xf32, #tpu.memory_space<vmem_shared>>) offsets(%dma_start3A_246 : memref<80xi32, #tpu.memory_space<vmem>>) semaphore(%arg26 : memref<!tpu.dma_semaphore, #tpu.memory_space<semaphore_mem>>) {add = true}
    %dma_wait3A_250 = arith.constant 0 : i32
    %dma_wait3A_251 = arith.constant 0 : i32
    %dma_wait3A_252 = arith.constant 0 : i32
    %dma_wait3A_253 = arith.constant 0 : i32
    %dma_wait3A_254 = tpu.memref_slice %arg3[%dma_wait3A_250, %dma_wait3A_251, %dma_wait3A_252, %dma_wait3A_253] : memref<32x126x2x80xi32, #tpu.memory_space<hbm>> -> memref<1x1x2x80xi32, #tpu.memory_space<hbm>>
    %dma_wait3A_255 = tpu.memref_squeeze %dma_wait3A_254 : memref<1x1x2x80xi32, #tpu.memory_space<hbm>> -> memref<2x80xi32, #tpu.memory_space<hbm>>
    %dma_wait3A_256 = arith.constant 0 : i32
    %dma_wait3A_257 = arith.constant 0 : i32
    %dma_wait3A_258 = tpu.memref_slice %arg3[%dma_wait3A_250, %dma_wait3A_251, %dma_wait3A_256, %dma_wait3A_257] : memref<32x126x2x80xi32, #tpu.memory_space<hbm>> -> memref<1x1x2x80xi32, #tpu.memory_space<hbm>>
    %dma_wait3A_259 = tpu.memref_squeeze %dma_wait3A_258 : memref<1x1x2x80xi32, #tpu.memory_space<hbm>> -> memref<2x80xi32, #tpu.memory_space<hbm>>
    tpu.wait_dma2 semaphore(%arg21 : memref<!tpu.dma_semaphore, #tpu.memory_space<semaphore_mem>>) src(%dma_wait3A_259 : memref<2x80xi32, #tpu.memory_space<hbm>>) dst(%arg11 : memref<2x80xi32, #tpu.memory_space<vmem>>)
    %dma_start3A_260 = arith.constant 0 : i32
    %dma_start3A_261 = arith.constant 0 : i32
    %dma_start3A_262 = tpu.memref_slice %arg11[%dma_start3A_260, %dma_start3A_261] : memref<2x80xi32, #tpu.memory_space<vmem>> -> memref<1x80xi32, #tpu.memory_space<vmem>>
    %dma_start3A_263 = tpu.memref_squeeze %dma_start3A_262 : memref<1x80xi32, #tpu.memory_space<vmem>> -> memref<80xi32, #tpu.memory_space<vmem>>
    %dma_start3A_264 = arith.constant 0 : i32
    %dma_start3A_265 = arith.constant 0 : i32
    %dma_start3A_266 = tpu.memref_slice %arg2[%dma_start3A_264, %dma_start3A_265] : memref<10000x128xf32, #tpu.memory_space<hbm>> -> memref<10000x128xf32, #tpu.memory_space<hbm>>
    tpu.enqueue_indirect_dma source(%dma_start3A_266 : memref<10000x128xf32, #tpu.memory_space<hbm>>) target(%arg14 : memref<80x128xf32, #tpu.memory_space<vmem>>) offsets(%dma_start3A_263 : memref<80xi32, #tpu.memory_space<vmem>>) semaphore(%arg24 : memref<!tpu.dma_semaphore, #tpu.memory_space<semaphore_mem>>)
    %scan3A = arith.constant 0 : i32
    %scan3A_267 = arith.constant 20 : i32
    %scan3A_268 = arith.addi %scan3A, %scan3A_267 : i32
    %scan3A_269 = arith.constant 1 : i32
    scf.for %scan3A_307 = %scan3A to %scan3A_268 step %scan3A_269  : i32 {
      %mul3A_308 = arith.constant 1 : i32
      %mul3A_309 = arith.muli %scan3A_307, %mul3A_308 : i32
      %add3A_310 = arith.constant 1 : i32
      %add3A_311 = arith.addi %add3A_310, %mul3A_309 : i32
      %mul3A_312 = arith.constant 6 : i32
      %mul3A_313 = arith.muli %add3A_311, %mul3A_312 : i32
      %add3A_314 = arith.constant 0 : i32
      %add3A_315 = arith.addi %mul3A_313, %add3A_314 : i32
      %dma_wait3A_316 = arith.constant 0 : i32
      %dma_wait3A_317 = arith.constant 0 : i32
      %dma_wait3A_318 = tpu.memref_slice %arg2[%dma_wait3A_316, %dma_wait3A_317] : memref<10000x128xf32, #tpu.memory_space<hbm>> -> memref<80x128xf32, #tpu.memory_space<hbm>>
      %dma_wait3A_319 = arith.constant 0 : i32
      %dma_wait3A_320 = arith.constant 0 : i32
      %dma_wait3A_321 = tpu.memref_slice %arg2[%dma_wait3A_319, %dma_wait3A_320] : memref<10000x128xf32, #tpu.memory_space<hbm>> -> memref<80x128xf32, #tpu.memory_space<hbm>>
      tpu.wait_dma2 semaphore(%arg25 : memref<!tpu.dma_semaphore, #tpu.memory_space<semaphore_mem>>) src(%dma_wait3A_321 : memref<80x128xf32, #tpu.memory_space<hbm>>) dst(%arg12 : memref<80x128xf32, #tpu.memory_space<vmem>>)
      %add3A_322 = arith.constant 3 : i32
      %add3A_323 = arith.addi %add3A_315, %add3A_322 : i32
      %lt3A = arith.constant 126 : i32
      %lt3A_324 = arith.cmpi slt, %add3A_323, %lt3A : i32
      %convert_element_type3A = arith.extui %lt3A_324 : i1 to i32
      %cond3A = arith.constant 0 : i32
      %cond3A_325 = arith.cmpi ne, %convert_element_type3A, %cond3A : i32
      scf.if %cond3A_325 {
        %dma_start3A_591 = arith.constant 0 : i32
        %dma_start3A_592 = arith.constant 0 : i32
        %dma_start3A_593 = tpu.memref_slice %arg3[%add3A, %add3A_323, %dma_start3A_591, %dma_start3A_592] : memref<32x126x2x80xi32, #tpu.memory_space<hbm>> -> memref<1x1x2x80xi32, #tpu.memory_space<hbm>>
        %dma_start3A_594 = tpu.memref_squeeze %dma_start3A_593 : memref<1x1x2x80xi32, #tpu.memory_space<hbm>> -> memref<2x80xi32, #tpu.memory_space<hbm>>
        %dma_start3A_595 = arith.constant 0 : i32
        %dma_start3A_596 = arith.constant 0 : i32
        %dma_start3A_597 = tpu.memref_slice %arg3[%add3A, %add3A_323, %dma_start3A_595, %dma_start3A_596] : memref<32x126x2x80xi32, #tpu.memory_space<hbm>> -> memref<1x1x2x80xi32, #tpu.memory_space<hbm>>
        %dma_start3A_598 = tpu.memref_squeeze %dma_start3A_597 : memref<1x1x2x80xi32, #tpu.memory_space<hbm>> -> memref<2x80xi32, #tpu.memory_space<hbm>>
        tpu.enqueue_dma source(%dma_start3A_598 : memref<2x80xi32, #tpu.memory_space<hbm>>) target(%arg9 : memref<2x80xi32, #tpu.memory_space<vmem>>) target_semaphore(%arg19 : memref<!tpu.dma_semaphore, #tpu.memory_space<semaphore_mem>>)
      } else {
      }
      %dma_wait3A_326 = arith.constant 0 : i32
      %dma_wait3A_327 = arith.constant 0 : i32
      %dma_wait3A_328 = tpu.memref_slice %arg2[%dma_wait3A_326, %dma_wait3A_327] : memref<10000x128xf32, #tpu.memory_space<hbm>> -> memref<80x128xf32, #tpu.memory_space<hbm>>
      %dma_wait3A_329 = arith.constant 0 : i32
      %dma_wait3A_330 = arith.constant 0 : i32
      %dma_wait3A_331 = tpu.memref_slice %arg2[%dma_wait3A_329, %dma_wait3A_330] : memref<10000x128xf32, #tpu.memory_space<hbm>> -> memref<80x128xf32, #tpu.memory_space<hbm>>
      tpu.wait_dma2 semaphore(%arg24 : memref<!tpu.dma_semaphore, #tpu.memory_space<semaphore_mem>>) src(%dma_wait3A_331 : memref<80x128xf32, #tpu.memory_space<hbm>>) dst(%arg14 : memref<80x128xf32, #tpu.memory_space<vmem>>)
      %dma_start3A_332 = arith.constant 1 : i32
      %dma_start3A_333 = arith.constant 0 : i32
      %dma_start3A_334 = tpu.memref_slice %arg11[%dma_start3A_332, %dma_start3A_333] : memref<2x80xi32, #tpu.memory_space<vmem>> -> memref<1x80xi32, #tpu.memory_space<vmem>>
      %dma_start3A_335 = tpu.memref_squeeze %dma_start3A_334 : memref<1x80xi32, #tpu.memory_space<vmem>> -> memref<80xi32, #tpu.memory_space<vmem>>
      %dma_start3A_336 = arith.constant 0 : i32
      %dma_start3A_337 = arith.constant 0 : i32
      %dma_start3A_338 = tpu.memref_slice %arg15[%dma_start3A_336, %dma_start3A_337] : memref<10240x128xf32, #tpu.memory_space<vmem_shared>> -> memref<10240x128xf32, #tpu.memory_space<vmem_shared>>
      tpu.enqueue_indirect_dma source(%arg14 : memref<80x128xf32, #tpu.memory_space<vmem>>) target(%dma_start3A_338 : memref<10240x128xf32, #tpu.memory_space<vmem_shared>>) offsets(%dma_start3A_335 : memref<80xi32, #tpu.memory_space<vmem>>) semaphore(%arg27 : memref<!tpu.dma_semaphore, #tpu.memory_space<semaphore_mem>>) {add = true}
      %dma_wait3A_339 = arith.constant 0 : i32
      %dma_wait3A_340 = arith.constant 0 : i32
      %dma_wait3A_341 = arith.constant 0 : i32
      %dma_wait3A_342 = arith.constant 0 : i32
      %dma_wait3A_343 = tpu.memref_slice %arg3[%dma_wait3A_339, %dma_wait3A_340, %dma_wait3A_341, %dma_wait3A_342] : memref<32x126x2x80xi32, #tpu.memory_space<hbm>> -> memref<1x1x2x80xi32, #tpu.memory_space<hbm>>
      %dma_wait3A_344 = tpu.memref_squeeze %dma_wait3A_343 : memref<1x1x2x80xi32, #tpu.memory_space<hbm>> -> memref<2x80xi32, #tpu.memory_space<hbm>>
      %dma_wait3A_345 = arith.constant 0 : i32
      %dma_wait3A_346 = arith.constant 0 : i32
      %dma_wait3A_347 = tpu.memref_slice %arg3[%dma_wait3A_339, %dma_wait3A_340, %dma_wait3A_345, %dma_wait3A_346] : memref<32x126x2x80xi32, #tpu.memory_space<hbm>> -> memref<1x1x2x80xi32, #tpu.memory_space<hbm>>
      %dma_wait3A_348 = tpu.memref_squeeze %dma_wait3A_347 : memref<1x1x2x80xi32, #tpu.memory_space<hbm>> -> memref<2x80xi32, #tpu.memory_space<hbm>>
      tpu.wait_dma2 semaphore(%arg16 : memref<!tpu.dma_semaphore, #tpu.memory_space<semaphore_mem>>) src(%dma_wait3A_348 : memref<2x80xi32, #tpu.memory_space<hbm>>) dst(%arg6 : memref<2x80xi32, #tpu.memory_space<vmem>>)
      %dma_start3A_349 = arith.constant 0 : i32
      %dma_start3A_350 = arith.constant 0 : i32
      %dma_start3A_351 = tpu.memref_slice %arg6[%dma_start3A_349, %dma_start3A_350] : memref<2x80xi32, #tpu.memory_space<vmem>> -> memref<1x80xi32, #tpu.memory_space<vmem>>
      %dma_start3A_352 = tpu.memref_squeeze %dma_start3A_351 : memref<1x80xi32, #tpu.memory_space<vmem>> -> memref<80xi32, #tpu.memory_space<vmem>>
      %dma_start3A_353 = arith.constant 0 : i32
      %dma_start3A_354 = arith.constant 0 : i32
      %dma_start3A_355 = tpu.memref_slice %arg2[%dma_start3A_353, %dma_start3A_354] : memref<10000x128xf32, #tpu.memory_space<hbm>> -> memref<10000x128xf32, #tpu.memory_space<hbm>>
      tpu.enqueue_indirect_dma source(%dma_start3A_355 : memref<10000x128xf32, #tpu.memory_space<hbm>>) target(%arg12 : memref<80x128xf32, #tpu.memory_space<vmem>>) offsets(%dma_start3A_352 : memref<80xi32, #tpu.memory_space<vmem>>) semaphore(%arg22 : memref<!tpu.dma_semaphore, #tpu.memory_space<semaphore_mem>>)
      %mul3A_356 = arith.constant 6 : i32
      %mul3A_357 = arith.muli %add3A_311, %mul3A_356 : i32
      %add3A_358 = arith.constant 1 : i32
      %add3A_359 = arith.addi %mul3A_357, %add3A_358 : i32
      %dma_wait3A_360 = arith.constant 0 : i32
      %dma_wait3A_361 = arith.constant 0 : i32
      %dma_wait3A_362 = tpu.memref_slice %arg2[%dma_wait3A_360, %dma_wait3A_361] : memref<10000x128xf32, #tpu.memory_space<hbm>> -> memref<80x128xf32, #tpu.memory_space<hbm>>
      %dma_wait3A_363 = arith.constant 0 : i32
      %dma_wait3A_364 = arith.constant 0 : i32
      %dma_wait3A_365 = tpu.memref_slice %arg2[%dma_wait3A_363, %dma_wait3A_364] : memref<10000x128xf32, #tpu.memory_space<hbm>> -> memref<80x128xf32, #tpu.memory_space<hbm>>
      tpu.wait_dma2 semaphore(%arg26 : memref<!tpu.dma_semaphore, #tpu.memory_space<semaphore_mem>>) src(%dma_wait3A_365 : memref<80x128xf32, #tpu.memory_space<hbm>>) dst(%arg13 : memref<80x128xf32, #tpu.memory_space<vmem>>)
      %add3A_366 = arith.constant 3 : i32
      %add3A_367 = arith.addi %add3A_359, %add3A_366 : i32
      %lt3A_368 = arith.constant 126 : i32
      %lt3A_369 = arith.cmpi slt, %add3A_367, %lt3A_368 : i32
      %convert_element_type3A_370 = arith.extui %lt3A_369 : i1 to i32
      %cond3A_371 = arith.constant 0 : i32
      %cond3A_372 = arith.cmpi ne, %convert_element_type3A_370, %cond3A_371 : i32
      scf.if %cond3A_372 {
        %dma_start3A_591 = arith.constant 0 : i32
        %dma_start3A_592 = arith.constant 0 : i32
        %dma_start3A_593 = tpu.memref_slice %arg3[%add3A, %add3A_367, %dma_start3A_591, %dma_start3A_592] : memref<32x126x2x80xi32, #tpu.memory_space<hbm>> -> memref<1x1x2x80xi32, #tpu.memory_space<hbm>>
        %dma_start3A_594 = tpu.memref_squeeze %dma_start3A_593 : memref<1x1x2x80xi32, #tpu.memory_space<hbm>> -> memref<2x80xi32, #tpu.memory_space<hbm>>
        %dma_start3A_595 = arith.constant 0 : i32
        %dma_start3A_596 = arith.constant 0 : i32
        %dma_start3A_597 = tpu.memref_slice %arg3[%add3A, %add3A_367, %dma_start3A_595, %dma_start3A_596] : memref<32x126x2x80xi32, #tpu.memory_space<hbm>> -> memref<1x1x2x80xi32, #tpu.memory_space<hbm>>
        %dma_start3A_598 = tpu.memref_squeeze %dma_start3A_597 : memref<1x1x2x80xi32, #tpu.memory_space<hbm>> -> memref<2x80xi32, #tpu.memory_space<hbm>>
        tpu.enqueue_dma source(%dma_start3A_598 : memref<2x80xi32, #tpu.memory_space<hbm>>) target(%arg10 : memref<2x80xi32, #tpu.memory_space<vmem>>) target_semaphore(%arg20 : memref<!tpu.dma_semaphore, #tpu.memory_space<semaphore_mem>>)
      } else {
      }
      %dma_wait3A_373 = arith.constant 0 : i32
      %dma_wait3A_374 = arith.constant 0 : i32
      %dma_wait3A_375 = tpu.memref_slice %arg2[%dma_wait3A_373, %dma_wait3A_374] : memref<10000x128xf32, #tpu.memory_space<hbm>> -> memref<80x128xf32, #tpu.memory_space<hbm>>
      %dma_wait3A_376 = arith.constant 0 : i32
      %dma_wait3A_377 = arith.constant 0 : i32
      %dma_wait3A_378 = tpu.memref_slice %arg2[%dma_wait3A_376, %dma_wait3A_377] : memref<10000x128xf32, #tpu.memory_space<hbm>> -> memref<80x128xf32, #tpu.memory_space<hbm>>
      tpu.wait_dma2 semaphore(%arg22 : memref<!tpu.dma_semaphore, #tpu.memory_space<semaphore_mem>>) src(%dma_wait3A_378 : memref<80x128xf32, #tpu.memory_space<hbm>>) dst(%arg12 : memref<80x128xf32, #tpu.memory_space<vmem>>)
      %dma_start3A_379 = arith.constant 1 : i32
      %dma_start3A_380 = arith.constant 0 : i32
      %dma_start3A_381 = tpu.memref_slice %arg6[%dma_start3A_379, %dma_start3A_380] : memref<2x80xi32, #tpu.memory_space<vmem>> -> memref<1x80xi32, #tpu.memory_space<vmem>>
      %dma_start3A_382 = tpu.memref_squeeze %dma_start3A_381 : memref<1x80xi32, #tpu.memory_space<vmem>> -> memref<80xi32, #tpu.memory_space<vmem>>
      %dma_start3A_383 = arith.constant 0 : i32
      %dma_start3A_384 = arith.constant 0 : i32
      %dma_start3A_385 = tpu.memref_slice %arg15[%dma_start3A_383, %dma_start3A_384] : memref<10240x128xf32, #tpu.memory_space<vmem_shared>> -> memref<10240x128xf32, #tpu.memory_space<vmem_shared>>
      tpu.enqueue_indirect_dma source(%arg12 : memref<80x128xf32, #tpu.memory_space<vmem>>) target(%dma_start3A_385 : memref<10240x128xf32, #tpu.memory_space<vmem_shared>>) offsets(%dma_start3A_382 : memref<80xi32, #tpu.memory_space<vmem>>) semaphore(%arg25 : memref<!tpu.dma_semaphore, #tpu.memory_space<semaphore_mem>>) {add = true}
      %dma_wait3A_386 = arith.constant 0 : i32
      %dma_wait3A_387 = arith.constant 0 : i32
      %dma_wait3A_388 = arith.constant 0 : i32
      %dma_wait3A_389 = arith.constant 0 : i32
      %dma_wait3A_390 = tpu.memref_slice %arg3[%dma_wait3A_386, %dma_wait3A_387, %dma_wait3A_388, %dma_wait3A_389] : memref<32x126x2x80xi32, #tpu.memory_space<hbm>> -> memref<1x1x2x80xi32, #tpu.memory_space<hbm>>
      %dma_wait3A_391 = tpu.memref_squeeze %dma_wait3A_390 : memref<1x1x2x80xi32, #tpu.memory_space<hbm>> -> memref<2x80xi32, #tpu.memory_space<hbm>>
      %dma_wait3A_392 = arith.constant 0 : i32
      %dma_wait3A_393 = arith.constant 0 : i32
      %dma_wait3A_394 = tpu.memref_slice %arg3[%dma_wait3A_386, %dma_wait3A_387, %dma_wait3A_392, %dma_wait3A_393] : memref<32x126x2x80xi32, #tpu.memory_space<hbm>> -> memref<1x1x2x80xi32, #tpu.memory_space<hbm>>
      %dma_wait3A_395 = tpu.memref_squeeze %dma_wait3A_394 : memref<1x1x2x80xi32, #tpu.memory_space<hbm>> -> memref<2x80xi32, #tpu.memory_space<hbm>>
      tpu.wait_dma2 semaphore(%arg17 : memref<!tpu.dma_semaphore, #tpu.memory_space<semaphore_mem>>) src(%dma_wait3A_395 : memref<2x80xi32, #tpu.memory_space<hbm>>) dst(%arg7 : memref<2x80xi32, #tpu.memory_space<vmem>>)
      %dma_start3A_396 = arith.constant 0 : i32
      %dma_start3A_397 = arith.constant 0 : i32
      %dma_start3A_398 = tpu.memref_slice %arg7[%dma_start3A_396, %dma_start3A_397] : memref<2x80xi32, #tpu.memory_space<vmem>> -> memref<1x80xi32, #tpu.memory_space<vmem>>
      %dma_start3A_399 = tpu.memref_squeeze %dma_start3A_398 : memref<1x80xi32, #tpu.memory_space<vmem>> -> memref<80xi32, #tpu.memory_space<vmem>>
      %dma_start3A_400 = arith.constant 0 : i32
      %dma_start3A_401 = arith.constant 0 : i32
      %dma_start3A_402 = tpu.memref_slice %arg2[%dma_start3A_400, %dma_start3A_401] : memref<10000x128xf32, #tpu.memory_space<hbm>> -> memref<10000x128xf32, #tpu.memory_space<hbm>>
      tpu.enqueue_indirect_dma source(%dma_start3A_402 : memref<10000x128xf32, #tpu.memory_space<hbm>>) target(%arg13 : memref<80x128xf32, #tpu.memory_space<vmem>>) offsets(%dma_start3A_399 : memref<80xi32, #tpu.memory_space<vmem>>) semaphore(%arg23 : memref<!tpu.dma_semaphore, #tpu.memory_space<semaphore_mem>>)
      %mul3A_403 = arith.constant 6 : i32
      %mul3A_404 = arith.muli %add3A_311, %mul3A_403 : i32
      %add3A_405 = arith.constant 2 : i32
      %add3A_406 = arith.addi %mul3A_404, %add3A_405 : i32
      %dma_wait3A_407 = arith.constant 0 : i32
      %dma_wait3A_408 = arith.constant 0 : i32
      %dma_wait3A_409 = tpu.memref_slice %arg2[%dma_wait3A_407, %dma_wait3A_408] : memref<10000x128xf32, #tpu.memory_space<hbm>> -> memref<80x128xf32, #tpu.memory_space<hbm>>
      %dma_wait3A_410 = arith.constant 0 : i32
      %dma_wait3A_411 = arith.constant 0 : i32
      %dma_wait3A_412 = tpu.memref_slice %arg2[%dma_wait3A_410, %dma_wait3A_411] : memref<10000x128xf32, #tpu.memory_space<hbm>> -> memref<80x128xf32, #tpu.memory_space<hbm>>
      tpu.wait_dma2 semaphore(%arg27 : memref<!tpu.dma_semaphore, #tpu.memory_space<semaphore_mem>>) src(%dma_wait3A_412 : memref<80x128xf32, #tpu.memory_space<hbm>>) dst(%arg14 : memref<80x128xf32, #tpu.memory_space<vmem>>)
      %add3A_413 = arith.constant 3 : i32
      %add3A_414 = arith.addi %add3A_406, %add3A_413 : i32
      %lt3A_415 = arith.constant 126 : i32
      %lt3A_416 = arith.cmpi slt, %add3A_414, %lt3A_415 : i32
      %convert_element_type3A_417 = arith.extui %lt3A_416 : i1 to i32
      %cond3A_418 = arith.constant 0 : i32
      %cond3A_419 = arith.cmpi ne, %convert_element_type3A_417, %cond3A_418 : i32
      scf.if %cond3A_419 {
        %dma_start3A_591 = arith.constant 0 : i32
        %dma_start3A_592 = arith.constant 0 : i32
        %dma_start3A_593 = tpu.memref_slice %arg3[%add3A, %add3A_414, %dma_start3A_591, %dma_start3A_592] : memref<32x126x2x80xi32, #tpu.memory_space<hbm>> -> memref<1x1x2x80xi32, #tpu.memory_space<hbm>>
        %dma_start3A_594 = tpu.memref_squeeze %dma_start3A_593 : memref<1x1x2x80xi32, #tpu.memory_space<hbm>> -> memref<2x80xi32, #tpu.memory_space<hbm>>
        %dma_start3A_595 = arith.constant 0 : i32
        %dma_start3A_596 = arith.constant 0 : i32
        %dma_start3A_597 = tpu.memref_slice %arg3[%add3A, %add3A_414, %dma_start3A_595, %dma_start3A_596] : memref<32x126x2x80xi32, #tpu.memory_space<hbm>> -> memref<1x1x2x80xi32, #tpu.memory_space<hbm>>
        %dma_start3A_598 = tpu.memref_squeeze %dma_start3A_597 : memref<1x1x2x80xi32, #tpu.memory_space<hbm>> -> memref<2x80xi32, #tpu.memory_space<hbm>>
        tpu.enqueue_dma source(%dma_start3A_598 : memref<2x80xi32, #tpu.memory_space<hbm>>) target(%arg11 : memref<2x80xi32, #tpu.memory_space<vmem>>) target_semaphore(%arg21 : memref<!tpu.dma_semaphore, #tpu.memory_space<semaphore_mem>>)
      } else {
      }
      %dma_wait3A_420 = arith.constant 0 : i32
      %dma_wait3A_421 = arith.constant 0 : i32
      %dma_wait3A_422 = tpu.memref_slice %arg2[%dma_wait3A_420, %dma_wait3A_421] : memref<10000x128xf32, #tpu.memory_space<hbm>> -> memref<80x128xf32, #tpu.memory_space<hbm>>
      %dma_wait3A_423 = arith.constant 0 : i32
      %dma_wait3A_424 = arith.constant 0 : i32
      %dma_wait3A_425 = tpu.memref_slice %arg2[%dma_wait3A_423, %dma_wait3A_424] : memref<10000x128xf32, #tpu.memory_space<hbm>> -> memref<80x128xf32, #tpu.memory_space<hbm>>
      tpu.wait_dma2 semaphore(%arg23 : memref<!tpu.dma_semaphore, #tpu.memory_space<semaphore_mem>>) src(%dma_wait3A_425 : memref<80x128xf32, #tpu.memory_space<hbm>>) dst(%arg13 : memref<80x128xf32, #tpu.memory_space<vmem>>)
      %dma_start3A_426 = arith.constant 1 : i32
      %dma_start3A_427 = arith.constant 0 : i32
      %dma_start3A_428 = tpu.memref_slice %arg7[%dma_start3A_426, %dma_start3A_427] : memref<2x80xi32, #tpu.memory_space<vmem>> -> memref<1x80xi32, #tpu.memory_space<vmem>>
      %dma_start3A_429 = tpu.memref_squeeze %dma_start3A_428 : memref<1x80xi32, #tpu.memory_space<vmem>> -> memref<80xi32, #tpu.memory_space<vmem>>
      %dma_start3A_430 = arith.constant 0 : i32
      %dma_start3A_431 = arith.constant 0 : i32
      %dma_start3A_432 = tpu.memref_slice %arg15[%dma_start3A_430, %dma_start3A_431] : memref<10240x128xf32, #tpu.memory_space<vmem_shared>> -> memref<10240x128xf32, #tpu.memory_space<vmem_shared>>
      tpu.enqueue_indirect_dma source(%arg13 : memref<80x128xf32, #tpu.memory_space<vmem>>) target(%dma_start3A_432 : memref<10240x128xf32, #tpu.memory_space<vmem_shared>>) offsets(%dma_start3A_429 : memref<80xi32, #tpu.memory_space<vmem>>) semaphore(%arg26 : memref<!tpu.dma_semaphore, #tpu.memory_space<semaphore_mem>>) {add = true}
      %dma_wait3A_433 = arith.constant 0 : i32
      %dma_wait3A_434 = arith.constant 0 : i32
      %dma_wait3A_435 = arith.constant 0 : i32
      %dma_wait3A_436 = arith.constant 0 : i32
      %dma_wait3A_437 = tpu.memref_slice %arg3[%dma_wait3A_433, %dma_wait3A_434, %dma_wait3A_435, %dma_wait3A_436] : memref<32x126x2x80xi32, #tpu.memory_space<hbm>> -> memref<1x1x2x80xi32, #tpu.memory_space<hbm>>
      %dma_wait3A_438 = tpu.memref_squeeze %dma_wait3A_437 : memref<1x1x2x80xi32, #tpu.memory_space<hbm>> -> memref<2x80xi32, #tpu.memory_space<hbm>>
      %dma_wait3A_439 = arith.constant 0 : i32
      %dma_wait3A_440 = arith.constant 0 : i32
      %dma_wait3A_441 = tpu.memref_slice %arg3[%dma_wait3A_433, %dma_wait3A_434, %dma_wait3A_439, %dma_wait3A_440] : memref<32x126x2x80xi32, #tpu.memory_space<hbm>> -> memref<1x1x2x80xi32, #tpu.memory_space<hbm>>
      %dma_wait3A_442 = tpu.memref_squeeze %dma_wait3A_441 : memref<1x1x2x80xi32, #tpu.memory_space<hbm>> -> memref<2x80xi32, #tpu.memory_space<hbm>>
      tpu.wait_dma2 semaphore(%arg18 : memref<!tpu.dma_semaphore, #tpu.memory_space<semaphore_mem>>) src(%dma_wait3A_442 : memref<2x80xi32, #tpu.memory_space<hbm>>) dst(%arg8 : memref<2x80xi32, #tpu.memory_space<vmem>>)
      %dma_start3A_443 = arith.constant 0 : i32
      %dma_start3A_444 = arith.constant 0 : i32
      %dma_start3A_445 = tpu.memref_slice %arg8[%dma_start3A_443, %dma_start3A_444] : memref<2x80xi32, #tpu.memory_space<vmem>> -> memref<1x80xi32, #tpu.memory_space<vmem>>
      %dma_start3A_446 = tpu.memref_squeeze %dma_start3A_445 : memref<1x80xi32, #tpu.memory_space<vmem>> -> memref<80xi32, #tpu.memory_space<vmem>>
      %dma_start3A_447 = arith.constant 0 : i32
      %dma_start3A_448 = arith.constant 0 : i32
      %dma_start3A_449 = tpu.memref_slice %arg2[%dma_start3A_447, %dma_start3A_448] : memref<10000x128xf32, #tpu.memory_space<hbm>> -> memref<10000x128xf32, #tpu.memory_space<hbm>>
      tpu.enqueue_indirect_dma source(%dma_start3A_449 : memref<10000x128xf32, #tpu.memory_space<hbm>>) target(%arg14 : memref<80x128xf32, #tpu.memory_space<vmem>>) offsets(%dma_start3A_446 : memref<80xi32, #tpu.memory_space<vmem>>) semaphore(%arg24 : memref<!tpu.dma_semaphore, #tpu.memory_space<semaphore_mem>>)
      %mul3A_450 = arith.constant 6 : i32
      %mul3A_451 = arith.muli %add3A_311, %mul3A_450 : i32
      %add3A_452 = arith.constant 3 : i32
      %add3A_453 = arith.addi %mul3A_451, %add3A_452 : i32
      %dma_wait3A_454 = arith.constant 0 : i32
      %dma_wait3A_455 = arith.constant 0 : i32
      %dma_wait3A_456 = tpu.memref_slice %arg2[%dma_wait3A_454, %dma_wait3A_455] : memref<10000x128xf32, #tpu.memory_space<hbm>> -> memref<80x128xf32, #tpu.memory_space<hbm>>
      %dma_wait3A_457 = arith.constant 0 : i32
      %dma_wait3A_458 = arith.constant 0 : i32
      %dma_wait3A_459 = tpu.memref_slice %arg2[%dma_wait3A_457, %dma_wait3A_458] : memref<10000x128xf32, #tpu.memory_space<hbm>> -> memref<80x128xf32, #tpu.memory_space<hbm>>
      tpu.wait_dma2 semaphore(%arg25 : memref<!tpu.dma_semaphore, #tpu.memory_space<semaphore_mem>>) src(%dma_wait3A_459 : memref<80x128xf32, #tpu.memory_space<hbm>>) dst(%arg12 : memref<80x128xf32, #tpu.memory_space<vmem>>)
      %add3A_460 = arith.constant 3 : i32
      %add3A_461 = arith.addi %add3A_453, %add3A_460 : i32
      %lt3A_462 = arith.constant 126 : i32
      %lt3A_463 = arith.cmpi slt, %add3A_461, %lt3A_462 : i32
      %convert_element_type3A_464 = arith.extui %lt3A_463 : i1 to i32
      %cond3A_465 = arith.constant 0 : i32
      %cond3A_466 = arith.cmpi ne, %convert_element_type3A_464, %cond3A_465 : i32
      scf.if %cond3A_466 {
        %dma_start3A_591 = arith.constant 0 : i32
        %dma_start3A_592 = arith.constant 0 : i32
        %dma_start3A_593 = tpu.memref_slice %arg3[%add3A, %add3A_461, %dma_start3A_591, %dma_start3A_592] : memref<32x126x2x80xi32, #tpu.memory_space<hbm>> -> memref<1x1x2x80xi32, #tpu.memory_space<hbm>>
        %dma_start3A_594 = tpu.memref_squeeze %dma_start3A_593 : memref<1x1x2x80xi32, #tpu.memory_space<hbm>> -> memref<2x80xi32, #tpu.memory_space<hbm>>
        %dma_start3A_595 = arith.constant 0 : i32
        %dma_start3A_596 = arith.constant 0 : i32
        %dma_start3A_597 = tpu.memref_slice %arg3[%add3A, %add3A_461, %dma_start3A_595, %dma_start3A_596] : memref<32x126x2x80xi32, #tpu.memory_space<hbm>> -> memref<1x1x2x80xi32, #tpu.memory_space<hbm>>
        %dma_start3A_598 = tpu.memref_squeeze %dma_start3A_597 : memref<1x1x2x80xi32, #tpu.memory_space<hbm>> -> memref<2x80xi32, #tpu.memory_space<hbm>>
        tpu.enqueue_dma source(%dma_start3A_598 : memref<2x80xi32, #tpu.memory_space<hbm>>) target(%arg6 : memref<2x80xi32, #tpu.memory_space<vmem>>) target_semaphore(%arg16 : memref<!tpu.dma_semaphore, #tpu.memory_space<semaphore_mem>>)
      } else {
      }
      %dma_wait3A_467 = arith.constant 0 : i32
      %dma_wait3A_468 = arith.constant 0 : i32
      %dma_wait3A_469 = tpu.memref_slice %arg2[%dma_wait3A_467, %dma_wait3A_468] : memref<10000x128xf32, #tpu.memory_space<hbm>> -> memref<80x128xf32, #tpu.memory_space<hbm>>
      %dma_wait3A_470 = arith.constant 0 : i32
      %dma_wait3A_471 = arith.constant 0 : i32
      %dma_wait3A_472 = tpu.memref_slice %arg2[%dma_wait3A_470, %dma_wait3A_471] : memref<10000x128xf32, #tpu.memory_space<hbm>> -> memref<80x128xf32, #tpu.memory_space<hbm>>
      tpu.wait_dma2 semaphore(%arg24 : memref<!tpu.dma_semaphore, #tpu.memory_space<semaphore_mem>>) src(%dma_wait3A_472 : memref<80x128xf32, #tpu.memory_space<hbm>>) dst(%arg14 : memref<80x128xf32, #tpu.memory_space<vmem>>)
      %dma_start3A_473 = arith.constant 1 : i32
      %dma_start3A_474 = arith.constant 0 : i32
      %dma_start3A_475 = tpu.memref_slice %arg8[%dma_start3A_473, %dma_start3A_474] : memref<2x80xi32, #tpu.memory_space<vmem>> -> memref<1x80xi32, #tpu.memory_space<vmem>>
      %dma_start3A_476 = tpu.memref_squeeze %dma_start3A_475 : memref<1x80xi32, #tpu.memory_space<vmem>> -> memref<80xi32, #tpu.memory_space<vmem>>
      %dma_start3A_477 = arith.constant 0 : i32
      %dma_start3A_478 = arith.constant 0 : i32
      %dma_start3A_479 = tpu.memref_slice %arg15[%dma_start3A_477, %dma_start3A_478] : memref<10240x128xf32, #tpu.memory_space<vmem_shared>> -> memref<10240x128xf32, #tpu.memory_space<vmem_shared>>
      tpu.enqueue_indirect_dma source(%arg14 : memref<80x128xf32, #tpu.memory_space<vmem>>) target(%dma_start3A_479 : memref<10240x128xf32, #tpu.memory_space<vmem_shared>>) offsets(%dma_start3A_476 : memref<80xi32, #tpu.memory_space<vmem>>) semaphore(%arg27 : memref<!tpu.dma_semaphore, #tpu.memory_space<semaphore_mem>>) {add = true}
      %dma_wait3A_480 = arith.constant 0 : i32
      %dma_wait3A_481 = arith.constant 0 : i32
      %dma_wait3A_482 = arith.constant 0 : i32
      %dma_wait3A_483 = arith.constant 0 : i32
      %dma_wait3A_484 = tpu.memref_slice %arg3[%dma_wait3A_480, %dma_wait3A_481, %dma_wait3A_482, %dma_wait3A_483] : memref<32x126x2x80xi32, #tpu.memory_space<hbm>> -> memref<1x1x2x80xi32, #tpu.memory_space<hbm>>
      %dma_wait3A_485 = tpu.memref_squeeze %dma_wait3A_484 : memref<1x1x2x80xi32, #tpu.memory_space<hbm>> -> memref<2x80xi32, #tpu.memory_space<hbm>>
      %dma_wait3A_486 = arith.constant 0 : i32
      %dma_wait3A_487 = arith.constant 0 : i32
      %dma_wait3A_488 = tpu.memref_slice %arg3[%dma_wait3A_480, %dma_wait3A_481, %dma_wait3A_486, %dma_wait3A_487] : memref<32x126x2x80xi32, #tpu.memory_space<hbm>> -> memref<1x1x2x80xi32, #tpu.memory_space<hbm>>
      %dma_wait3A_489 = tpu.memref_squeeze %dma_wait3A_488 : memref<1x1x2x80xi32, #tpu.memory_space<hbm>> -> memref<2x80xi32, #tpu.memory_space<hbm>>
      tpu.wait_dma2 semaphore(%arg19 : memref<!tpu.dma_semaphore, #tpu.memory_space<semaphore_mem>>) src(%dma_wait3A_489 : memref<2x80xi32, #tpu.memory_space<hbm>>) dst(%arg9 : memref<2x80xi32, #tpu.memory_space<vmem>>)
      %dma_start3A_490 = arith.constant 0 : i32
      %dma_start3A_491 = arith.constant 0 : i32
      %dma_start3A_492 = tpu.memref_slice %arg9[%dma_start3A_490, %dma_start3A_491] : memref<2x80xi32, #tpu.memory_space<vmem>> -> memref<1x80xi32, #tpu.memory_space<vmem>>
      %dma_start3A_493 = tpu.memref_squeeze %dma_start3A_492 : memref<1x80xi32, #tpu.memory_space<vmem>> -> memref<80xi32, #tpu.memory_space<vmem>>
      %dma_start3A_494 = arith.constant 0 : i32
      %dma_start3A_495 = arith.constant 0 : i32
      %dma_start3A_496 = tpu.memref_slice %arg2[%dma_start3A_494, %dma_start3A_495] : memref<10000x128xf32, #tpu.memory_space<hbm>> -> memref<10000x128xf32, #tpu.memory_space<hbm>>
      tpu.enqueue_indirect_dma source(%dma_start3A_496 : memref<10000x128xf32, #tpu.memory_space<hbm>>) target(%arg12 : memref<80x128xf32, #tpu.memory_space<vmem>>) offsets(%dma_start3A_493 : memref<80xi32, #tpu.memory_space<vmem>>) semaphore(%arg22 : memref<!tpu.dma_semaphore, #tpu.memory_space<semaphore_mem>>)
      %mul3A_497 = arith.constant 6 : i32
      %mul3A_498 = arith.muli %add3A_311, %mul3A_497 : i32
      %add3A_499 = arith.constant 4 : i32
      %add3A_500 = arith.addi %mul3A_498, %add3A_499 : i32
      %dma_wait3A_501 = arith.constant 0 : i32
      %dma_wait3A_502 = arith.constant 0 : i32
      %dma_wait3A_503 = tpu.memref_slice %arg2[%dma_wait3A_501, %dma_wait3A_502] : memref<10000x128xf32, #tpu.memory_space<hbm>> -> memref<80x128xf32, #tpu.memory_space<hbm>>
      %dma_wait3A_504 = arith.constant 0 : i32
      %dma_wait3A_505 = arith.constant 0 : i32
      %dma_wait3A_506 = tpu.memref_slice %arg2[%dma_wait3A_504, %dma_wait3A_505] : memref<10000x128xf32, #tpu.memory_space<hbm>> -> memref<80x128xf32, #tpu.memory_space<hbm>>
      tpu.wait_dma2 semaphore(%arg26 : memref<!tpu.dma_semaphore, #tpu.memory_space<semaphore_mem>>) src(%dma_wait3A_506 : memref<80x128xf32, #tpu.memory_space<hbm>>) dst(%arg13 : memref<80x128xf32, #tpu.memory_space<vmem>>)
      %add3A_507 = arith.constant 3 : i32
      %add3A_508 = arith.addi %add3A_500, %add3A_507 : i32
      %lt3A_509 = arith.constant 126 : i32
      %lt3A_510 = arith.cmpi slt, %add3A_508, %lt3A_509 : i32
      %convert_element_type3A_511 = arith.extui %lt3A_510 : i1 to i32
      %cond3A_512 = arith.constant 0 : i32
      %cond3A_513 = arith.cmpi ne, %convert_element_type3A_511, %cond3A_512 : i32
      scf.if %cond3A_513 {
        %dma_start3A_591 = arith.constant 0 : i32
        %dma_start3A_592 = arith.constant 0 : i32
        %dma_start3A_593 = tpu.memref_slice %arg3[%add3A, %add3A_508, %dma_start3A_591, %dma_start3A_592] : memref<32x126x2x80xi32, #tpu.memory_space<hbm>> -> memref<1x1x2x80xi32, #tpu.memory_space<hbm>>
        %dma_start3A_594 = tpu.memref_squeeze %dma_start3A_593 : memref<1x1x2x80xi32, #tpu.memory_space<hbm>> -> memref<2x80xi32, #tpu.memory_space<hbm>>
        %dma_start3A_595 = arith.constant 0 : i32
        %dma_start3A_596 = arith.constant 0 : i32
        %dma_start3A_597 = tpu.memref_slice %arg3[%add3A, %add3A_508, %dma_start3A_595, %dma_start3A_596] : memref<32x126x2x80xi32, #tpu.memory_space<hbm>> -> memref<1x1x2x80xi32, #tpu.memory_space<hbm>>
        %dma_start3A_598 = tpu.memref_squeeze %dma_start3A_597 : memref<1x1x2x80xi32, #tpu.memory_space<hbm>> -> memref<2x80xi32, #tpu.memory_space<hbm>>
        tpu.enqueue_dma source(%dma_start3A_598 : memref<2x80xi32, #tpu.memory_space<hbm>>) target(%arg7 : memref<2x80xi32, #tpu.memory_space<vmem>>) target_semaphore(%arg17 : memref<!tpu.dma_semaphore, #tpu.memory_space<semaphore_mem>>)
      } else {
      }
      %dma_wait3A_514 = arith.constant 0 : i32
      %dma_wait3A_515 = arith.constant 0 : i32
      %dma_wait3A_516 = tpu.memref_slice %arg2[%dma_wait3A_514, %dma_wait3A_515] : memref<10000x128xf32, #tpu.memory_space<hbm>> -> memref<80x128xf32, #tpu.memory_space<hbm>>
      %dma_wait3A_517 = arith.constant 0 : i32
      %dma_wait3A_518 = arith.constant 0 : i32
      %dma_wait3A_519 = tpu.memref_slice %arg2[%dma_wait3A_517, %dma_wait3A_518] : memref<10000x128xf32, #tpu.memory_space<hbm>> -> memref<80x128xf32, #tpu.memory_space<hbm>>
      tpu.wait_dma2 semaphore(%arg22 : memref<!tpu.dma_semaphore, #tpu.memory_space<semaphore_mem>>) src(%dma_wait3A_519 : memref<80x128xf32, #tpu.memory_space<hbm>>) dst(%arg12 : memref<80x128xf32, #tpu.memory_space<vmem>>)
      %dma_start3A_520 = arith.constant 1 : i32
      %dma_start3A_521 = arith.constant 0 : i32
      %dma_start3A_522 = tpu.memref_slice %arg9[%dma_start3A_520, %dma_start3A_521] : memref<2x80xi32, #tpu.memory_space<vmem>> -> memref<1x80xi32, #tpu.memory_space<vmem>>
      %dma_start3A_523 = tpu.memref_squeeze %dma_start3A_522 : memref<1x80xi32, #tpu.memory_space<vmem>> -> memref<80xi32, #tpu.memory_space<vmem>>
      %dma_start3A_524 = arith.constant 0 : i32
      %dma_start3A_525 = arith.constant 0 : i32
      %dma_start3A_526 = tpu.memref_slice %arg15[%dma_start3A_524, %dma_start3A_525] : memref<10240x128xf32, #tpu.memory_space<vmem_shared>> -> memref<10240x128xf32, #tpu.memory_space<vmem_shared>>
      tpu.enqueue_indirect_dma source(%arg12 : memref<80x128xf32, #tpu.memory_space<vmem>>) target(%dma_start3A_526 : memref<10240x128xf32, #tpu.memory_space<vmem_shared>>) offsets(%dma_start3A_523 : memref<80xi32, #tpu.memory_space<vmem>>) semaphore(%arg25 : memref<!tpu.dma_semaphore, #tpu.memory_space<semaphore_mem>>) {add = true}
      %dma_wait3A_527 = arith.constant 0 : i32
      %dma_wait3A_528 = arith.constant 0 : i32
      %dma_wait3A_529 = arith.constant 0 : i32
      %dma_wait3A_530 = arith.constant 0 : i32
      %dma_wait3A_531 = tpu.memref_slice %arg3[%dma_wait3A_527, %dma_wait3A_528, %dma_wait3A_529, %dma_wait3A_530] : memref<32x126x2x80xi32, #tpu.memory_space<hbm>> -> memref<1x1x2x80xi32, #tpu.memory_space<hbm>>
      %dma_wait3A_532 = tpu.memref_squeeze %dma_wait3A_531 : memref<1x1x2x80xi32, #tpu.memory_space<hbm>> -> memref<2x80xi32, #tpu.memory_space<hbm>>
      %dma_wait3A_533 = arith.constant 0 : i32
      %dma_wait3A_534 = arith.constant 0 : i32
      %dma_wait3A_535 = tpu.memref_slice %arg3[%dma_wait3A_527, %dma_wait3A_528, %dma_wait3A_533, %dma_wait3A_534] : memref<32x126x2x80xi32, #tpu.memory_space<hbm>> -> memref<1x1x2x80xi32, #tpu.memory_space<hbm>>
      %dma_wait3A_536 = tpu.memref_squeeze %dma_wait3A_535 : memref<1x1x2x80xi32, #tpu.memory_space<hbm>> -> memref<2x80xi32, #tpu.memory_space<hbm>>
      tpu.wait_dma2 semaphore(%arg20 : memref<!tpu.dma_semaphore, #tpu.memory_space<semaphore_mem>>) src(%dma_wait3A_536 : memref<2x80xi32, #tpu.memory_space<hbm>>) dst(%arg10 : memref<2x80xi32, #tpu.memory_space<vmem>>)
      %dma_start3A_537 = arith.constant 0 : i32
      %dma_start3A_538 = arith.constant 0 : i32
      %dma_start3A_539 = tpu.memref_slice %arg10[%dma_start3A_537, %dma_start3A_538] : memref<2x80xi32, #tpu.memory_space<vmem>> -> memref<1x80xi32, #tpu.memory_space<vmem>>
      %dma_start3A_540 = tpu.memref_squeeze %dma_start3A_539 : memref<1x80xi32, #tpu.memory_space<vmem>> -> memref<80xi32, #tpu.memory_space<vmem>>
      %dma_start3A_541 = arith.constant 0 : i32
      %dma_start3A_542 = arith.constant 0 : i32
      %dma_start3A_543 = tpu.memref_slice %arg2[%dma_start3A_541, %dma_start3A_542] : memref<10000x128xf32, #tpu.memory_space<hbm>> -> memref<10000x128xf32, #tpu.memory_space<hbm>>
      tpu.enqueue_indirect_dma source(%dma_start3A_543 : memref<10000x128xf32, #tpu.memory_space<hbm>>) target(%arg13 : memref<80x128xf32, #tpu.memory_space<vmem>>) offsets(%dma_start3A_540 : memref<80xi32, #tpu.memory_space<vmem>>) semaphore(%arg23 : memref<!tpu.dma_semaphore, #tpu.memory_space<semaphore_mem>>)
      %mul3A_544 = arith.constant 6 : i32
      %mul3A_545 = arith.muli %add3A_311, %mul3A_544 : i32
      %add3A_546 = arith.constant 5 : i32
      %add3A_547 = arith.addi %mul3A_545, %add3A_546 : i32
      %dma_wait3A_548 = arith.constant 0 : i32
      %dma_wait3A_549 = arith.constant 0 : i32
      %dma_wait3A_550 = tpu.memref_slice %arg2[%dma_wait3A_548, %dma_wait3A_549] : memref<10000x128xf32, #tpu.memory_space<hbm>> -> memref<80x128xf32, #tpu.memory_space<hbm>>
      %dma_wait3A_551 = arith.constant 0 : i32
      %dma_wait3A_552 = arith.constant 0 : i32
      %dma_wait3A_553 = tpu.memref_slice %arg2[%dma_wait3A_551, %dma_wait3A_552] : memref<10000x128xf32, #tpu.memory_space<hbm>> -> memref<80x128xf32, #tpu.memory_space<hbm>>
      tpu.wait_dma2 semaphore(%arg27 : memref<!tpu.dma_semaphore, #tpu.memory_space<semaphore_mem>>) src(%dma_wait3A_553 : memref<80x128xf32, #tpu.memory_space<hbm>>) dst(%arg14 : memref<80x128xf32, #tpu.memory_space<vmem>>)
      %add3A_554 = arith.constant 3 : i32
      %add3A_555 = arith.addi %add3A_547, %add3A_554 : i32
      %lt3A_556 = arith.constant 126 : i32
      %lt3A_557 = arith.cmpi slt, %add3A_555, %lt3A_556 : i32
      %convert_element_type3A_558 = arith.extui %lt3A_557 : i1 to i32
      %cond3A_559 = arith.constant 0 : i32
      %cond3A_560 = arith.cmpi ne, %convert_element_type3A_558, %cond3A_559 : i32
      scf.if %cond3A_560 {
        %dma_start3A_591 = arith.constant 0 : i32
        %dma_start3A_592 = arith.constant 0 : i32
        %dma_start3A_593 = tpu.memref_slice %arg3[%add3A, %add3A_555, %dma_start3A_591, %dma_start3A_592] : memref<32x126x2x80xi32, #tpu.memory_space<hbm>> -> memref<1x1x2x80xi32, #tpu.memory_space<hbm>>
        %dma_start3A_594 = tpu.memref_squeeze %dma_start3A_593 : memref<1x1x2x80xi32, #tpu.memory_space<hbm>> -> memref<2x80xi32, #tpu.memory_space<hbm>>
        %dma_start3A_595 = arith.constant 0 : i32
        %dma_start3A_596 = arith.constant 0 : i32
        %dma_start3A_597 = tpu.memref_slice %arg3[%add3A, %add3A_555, %dma_start3A_595, %dma_start3A_596] : memref<32x126x2x80xi32, #tpu.memory_space<hbm>> -> memref<1x1x2x80xi32, #tpu.memory_space<hbm>>
        %dma_start3A_598 = tpu.memref_squeeze %dma_start3A_597 : memref<1x1x2x80xi32, #tpu.memory_space<hbm>> -> memref<2x80xi32, #tpu.memory_space<hbm>>
        tpu.enqueue_dma source(%dma_start3A_598 : memref<2x80xi32, #tpu.memory_space<hbm>>) target(%arg8 : memref<2x80xi32, #tpu.memory_space<vmem>>) target_semaphore(%arg18 : memref<!tpu.dma_semaphore, #tpu.memory_space<semaphore_mem>>)
      } else {
      }
      %dma_wait3A_561 = arith.constant 0 : i32
      %dma_wait3A_562 = arith.constant 0 : i32
      %dma_wait3A_563 = tpu.memref_slice %arg2[%dma_wait3A_561, %dma_wait3A_562] : memref<10000x128xf32, #tpu.memory_space<hbm>> -> memref<80x128xf32, #tpu.memory_space<hbm>>
      %dma_wait3A_564 = arith.constant 0 : i32
      %dma_wait3A_565 = arith.constant 0 : i32
      %dma_wait3A_566 = tpu.memref_slice %arg2[%dma_wait3A_564, %dma_wait3A_565] : memref<10000x128xf32, #tpu.memory_space<hbm>> -> memref<80x128xf32, #tpu.memory_space<hbm>>
      tpu.wait_dma2 semaphore(%arg23 : memref<!tpu.dma_semaphore, #tpu.memory_space<semaphore_mem>>) src(%dma_wait3A_566 : memref<80x128xf32, #tpu.memory_space<hbm>>) dst(%arg13 : memref<80x128xf32, #tpu.memory_space<vmem>>)
      %dma_start3A_567 = arith.constant 1 : i32
      %dma_start3A_568 = arith.constant 0 : i32
      %dma_start3A_569 = tpu.memref_slice %arg10[%dma_start3A_567, %dma_start3A_568] : memref<2x80xi32, #tpu.memory_space<vmem>> -> memref<1x80xi32, #tpu.memory_space<vmem>>
      %dma_start3A_570 = tpu.memref_squeeze %dma_start3A_569 : memref<1x80xi32, #tpu.memory_space<vmem>> -> memref<80xi32, #tpu.memory_space<vmem>>
      %dma_start3A_571 = arith.constant 0 : i32
      %dma_start3A_572 = arith.constant 0 : i32
      %dma_start3A_573 = tpu.memref_slice %arg15[%dma_start3A_571, %dma_start3A_572] : memref<10240x128xf32, #tpu.memory_space<vmem_shared>> -> memref<10240x128xf32, #tpu.memory_space<vmem_shared>>
      tpu.enqueue_indirect_dma source(%arg13 : memref<80x128xf32, #tpu.memory_space<vmem>>) target(%dma_start3A_573 : memref<10240x128xf32, #tpu.memory_space<vmem_shared>>) offsets(%dma_start3A_570 : memref<80xi32, #tpu.memory_space<vmem>>) semaphore(%arg26 : memref<!tpu.dma_semaphore, #tpu.memory_space<semaphore_mem>>) {add = true}
      %dma_wait3A_574 = arith.constant 0 : i32
      %dma_wait3A_575 = arith.constant 0 : i32
      %dma_wait3A_576 = arith.constant 0 : i32
      %dma_wait3A_577 = arith.constant 0 : i32
      %dma_wait3A_578 = tpu.memref_slice %arg3[%dma_wait3A_574, %dma_wait3A_575, %dma_wait3A_576, %dma_wait3A_577] : memref<32x126x2x80xi32, #tpu.memory_space<hbm>> -> memref<1x1x2x80xi32, #tpu.memory_space<hbm>>
      %dma_wait3A_579 = tpu.memref_squeeze %dma_wait3A_578 : memref<1x1x2x80xi32, #tpu.memory_space<hbm>> -> memref<2x80xi32, #tpu.memory_space<hbm>>
      %dma_wait3A_580 = arith.constant 0 : i32
      %dma_wait3A_581 = arith.constant 0 : i32
      %dma_wait3A_582 = tpu.memref_slice %arg3[%dma_wait3A_574, %dma_wait3A_575, %dma_wait3A_580, %dma_wait3A_581] : memref<32x126x2x80xi32, #tpu.memory_space<hbm>> -> memref<1x1x2x80xi32, #tpu.memory_space<hbm>>
      %dma_wait3A_583 = tpu.memref_squeeze %dma_wait3A_582 : memref<1x1x2x80xi32, #tpu.memory_space<hbm>> -> memref<2x80xi32, #tpu.memory_space<hbm>>
      tpu.wait_dma2 semaphore(%arg21 : memref<!tpu.dma_semaphore, #tpu.memory_space<semaphore_mem>>) src(%dma_wait3A_583 : memref<2x80xi32, #tpu.memory_space<hbm>>) dst(%arg11 : memref<2x80xi32, #tpu.memory_space<vmem>>)
      %dma_start3A_584 = arith.constant 0 : i32
      %dma_start3A_585 = arith.constant 0 : i32
      %dma_start3A_586 = tpu.memref_slice %arg11[%dma_start3A_584, %dma_start3A_585] : memref<2x80xi32, #tpu.memory_space<vmem>> -> memref<1x80xi32, #tpu.memory_space<vmem>>
      %dma_start3A_587 = tpu.memref_squeeze %dma_start3A_586 : memref<1x80xi32, #tpu.memory_space<vmem>> -> memref<80xi32, #tpu.memory_space<vmem>>
      %dma_start3A_588 = arith.constant 0 : i32
      %dma_start3A_589 = arith.constant 0 : i32
      %dma_start3A_590 = tpu.memref_slice %arg2[%dma_start3A_588, %dma_start3A_589] : memref<10000x128xf32, #tpu.memory_space<hbm>> -> memref<10000x128xf32, #tpu.memory_space<hbm>>
      tpu.enqueue_indirect_dma source(%dma_start3A_590 : memref<10000x128xf32, #tpu.memory_space<hbm>>) target(%arg14 : memref<80x128xf32, #tpu.memory_space<vmem>>) offsets(%dma_start3A_587 : memref<80xi32, #tpu.memory_space<vmem>>) semaphore(%arg24 : memref<!tpu.dma_semaphore, #tpu.memory_space<semaphore_mem>>)
    }
    %scan3A_270 = arith.constant 20 : i32
    %dma_wait3A_271 = arith.constant 0 : i32
    %dma_wait3A_272 = arith.constant 0 : i32
    %dma_wait3A_273 = tpu.memref_slice %arg2[%dma_wait3A_271, %dma_wait3A_272] : memref<10000x128xf32, #tpu.memory_space<hbm>> -> memref<80x128xf32, #tpu.memory_space<hbm>>
    %dma_wait3A_274 = arith.constant 0 : i32
    %dma_wait3A_275 = arith.constant 0 : i32
    %dma_wait3A_276 = tpu.memref_slice %arg2[%dma_wait3A_274, %dma_wait3A_275] : memref<10000x128xf32, #tpu.memory_space<hbm>> -> memref<80x128xf32, #tpu.memory_space<hbm>>
    tpu.wait_dma2 semaphore(%arg24 : memref<!tpu.dma_semaphore, #tpu.memory_space<semaphore_mem>>) src(%dma_wait3A_276 : memref<80x128xf32, #tpu.memory_space<hbm>>) dst(%arg14 : memref<80x128xf32, #tpu.memory_space<vmem>>)
    %dma_start3A_277 = arith.constant 1 : i32
    %dma_start3A_278 = arith.constant 0 : i32
    %dma_start3A_279 = tpu.memref_slice %arg11[%dma_start3A_277, %dma_start3A_278] : memref<2x80xi32, #tpu.memory_space<vmem>> -> memref<1x80xi32, #tpu.memory_space<vmem>>
    %dma_start3A_280 = tpu.memref_squeeze %dma_start3A_279 : memref<1x80xi32, #tpu.memory_space<vmem>> -> memref<80xi32, #tpu.memory_space<vmem>>
    %dma_start3A_281 = arith.constant 0 : i32
    %dma_start3A_282 = arith.constant 0 : i32
    %dma_start3A_283 = tpu.memref_slice %arg15[%dma_start3A_281, %dma_start3A_282] : memref<10240x128xf32, #tpu.memory_space<vmem_shared>> -> memref<10240x128xf32, #tpu.memory_space<vmem_shared>>
    tpu.enqueue_indirect_dma source(%arg14 : memref<80x128xf32, #tpu.memory_space<vmem>>) target(%dma_start3A_283 : memref<10240x128xf32, #tpu.memory_space<vmem_shared>>) offsets(%dma_start3A_280 : memref<80xi32, #tpu.memory_space<vmem>>) semaphore(%arg27 : memref<!tpu.dma_semaphore, #tpu.memory_space<semaphore_mem>>) {add = true}
    %dma_wait3A_284 = arith.constant 0 : i32
    %dma_wait3A_285 = arith.constant 0 : i32
    %dma_wait3A_286 = tpu.memref_slice %arg2[%dma_wait3A_284, %dma_wait3A_285] : memref<10000x128xf32, #tpu.memory_space<hbm>> -> memref<80x128xf32, #tpu.memory_space<hbm>>
    %dma_wait3A_287 = arith.constant 0 : i32
    %dma_wait3A_288 = arith.constant 0 : i32
    %dma_wait3A_289 = tpu.memref_slice %arg2[%dma_wait3A_287, %dma_wait3A_288] : memref<10000x128xf32, #tpu.memory_space<hbm>> -> memref<80x128xf32, #tpu.memory_space<hbm>>
    tpu.wait_dma2 semaphore(%arg25 : memref<!tpu.dma_semaphore, #tpu.memory_space<semaphore_mem>>) src(%dma_wait3A_289 : memref<80x128xf32, #tpu.memory_space<hbm>>) dst(%arg12 : memref<80x128xf32, #tpu.memory_space<vmem>>)
    %dma_wait3A_290 = arith.constant 0 : i32
    %dma_wait3A_291 = arith.constant 0 : i32
    %dma_wait3A_292 = tpu.memref_slice %arg2[%dma_wait3A_290, %dma_wait3A_291] : memref<10000x128xf32, #tpu.memory_space<hbm>> -> memref<80x128xf32, #tpu.memory_space<hbm>>
    %dma_wait3A_293 = arith.constant 0 : i32
    %dma_wait3A_294 = arith.constant 0 : i32
    %dma_wait3A_295 = tpu.memref_slice %arg2[%dma_wait3A_293, %dma_wait3A_294] : memref<10000x128xf32, #tpu.memory_space<hbm>> -> memref<80x128xf32, #tpu.memory_space<hbm>>
    tpu.wait_dma2 semaphore(%arg26 : memref<!tpu.dma_semaphore, #tpu.memory_space<semaphore_mem>>) src(%dma_wait3A_295 : memref<80x128xf32, #tpu.memory_space<hbm>>) dst(%arg13 : memref<80x128xf32, #tpu.memory_space<vmem>>)
    %dma_wait3A_296 = arith.constant 0 : i32
    %dma_wait3A_297 = arith.constant 0 : i32
    %dma_wait3A_298 = tpu.memref_slice %arg2[%dma_wait3A_296, %dma_wait3A_297] : memref<10000x128xf32, #tpu.memory_space<hbm>> -> memref<80x128xf32, #tpu.memory_space<hbm>>
    %dma_wait3A_299 = arith.constant 0 : i32
    %dma_wait3A_300 = arith.constant 0 : i32
    %dma_wait3A_301 = tpu.memref_slice %arg2[%dma_wait3A_299, %dma_wait3A_300] : memref<10000x128xf32, #tpu.memory_space<hbm>> -> memref<80x128xf32, #tpu.memory_space<hbm>>
    tpu.wait_dma2 semaphore(%arg27 : memref<!tpu.dma_semaphore, #tpu.memory_space<semaphore_mem>>) src(%dma_wait3A_301 : memref<80x128xf32, #tpu.memory_space<hbm>>) dst(%arg14 : memref<80x128xf32, #tpu.memory_space<vmem>>)
    %barrier3A_302 = arith.constant 0 : index
    tpu.barrier barrier_id(%barrier3A_302)
    %mul3A_303 = arith.constant 640 : i32
    %mul3A_304 = arith.muli %arg1, %mul3A_303 : i32
    %mul3A_305 = arith.constant 640 : i32
    %mul3A_306 = arith.muli %arg1, %mul3A_305 : i32
    "tpu.region"() ({
      %run_scoped3A = tpu.sem_alloc : memref<!tpu.dma_semaphore, #tpu.memory_space<semaphore_mem>>
      %dma_start3A_307 = arith.constant 0 : i32
      %dma_start3A_308 = tpu.memref_slice %arg5[%arg0, %mul3A_306, %dma_start3A_307] : memref<2x10240x128xf32, #tpu.memory_space<hbm>> -> memref<1x640x128xf32, #tpu.memory_space<hbm>>
      %dma_start3A_309 = tpu.memref_squeeze %dma_start3A_308 : memref<1x640x128xf32, #tpu.memory_space<hbm>> -> memref<640x128xf32, #tpu.memory_space<hbm>>
      %dma_start3A_310 = arith.constant 0 : i32
      %dma_start3A_311 = tpu.memref_slice %arg15[%mul3A_304, %dma_start3A_310] : memref<10240x128xf32, #tpu.memory_space<vmem_shared>> -> memref<640x128xf32, #tpu.memory_space<vmem_shared>>
      tpu.enqueue_dma source(%dma_start3A_311 : memref<640x128xf32, #tpu.memory_space<vmem_shared>>) target(%dma_start3A_309 : memref<640x128xf32, #tpu.memory_space<hbm>>) target_semaphore(%run_scoped3A : memref<!tpu.dma_semaphore, #tpu.memory_space<semaphore_mem>>)
      %dma_wait3A_312 = arith.constant 0 : i32
      %dma_wait3A_313 = tpu.memref_slice %arg5[%arg0, %mul3A_306, %dma_wait3A_312] : memref<2x10240x128xf32, #tpu.memory_space<hbm>> -> memref<1x640x128xf32, #tpu.memory_space<hbm>>
      %dma_wait3A_314 = tpu.memref_squeeze %dma_wait3A_313 : memref<1x640x128xf32, #tpu.memory_space<hbm>> -> memref<640x128xf32, #tpu.memory_space<hbm>>
      %dma_wait3A_315 = arith.constant 0 : i32
      %dma_wait3A_316 = tpu.memref_slice %arg15[%mul3A_304, %dma_wait3A_315] : memref<10240x128xf32, #tpu.memory_space<vmem_shared>> -> memref<640x128xf32, #tpu.memory_space<vmem_shared>>
      tpu.wait_dma2 semaphore(%run_scoped3A : memref<!tpu.dma_semaphore, #tpu.memory_space<semaphore_mem>>) src(%dma_wait3A_316 : memref<640x128xf32, #tpu.memory_space<vmem_shared>>) dst(%dma_wait3A_314 : memref<640x128xf32, #tpu.memory_space<hbm>>)
      tpu.yield
    }) : () -> ()
    return
  }
}

module attributes {stable_mosaic.version = 14 : i64} {
  func.func @_lift_body(%arg0: i32, %arg1: memref<1000x128xf32, #tpu.memory_space<vmem>>, %arg2: memref<128x128xf32, #tpu.memory_space<vmem>>, %arg3: memref<1x128xf32, #tpu.memory_space<vmem>>, %arg4: memref<1000x128xf32, #tpu.memory_space<vmem>>) attributes {dimension_semantics = [#tpu.dimension_semantics<arbitrary>], iteration_bounds = array<i64: 10>, scalar_prefetch = 0 : i64, scratch_operands = 0 : i64, tpu.core_type = #tpu.core_type<tc>, window_params = [{transform_indices = @transform_0, window_bounds = array<i64: 1000, 128>}, {pipeline_mode = #tpu.pipeline_mode<synchronous>, transform_indices = @transform_1, window_bounds = array<i64: 128, 128>}, {pipeline_mode = #tpu.pipeline_mode<synchronous>, transform_indices = @transform_2, window_bounds = array<i64: 1, 128>}, {transform_indices = @transform_3, window_bounds = array<i64: 1000, 128>}]} {
    %get3A = arith.constant 0 : index
    %get3A_0 = arith.constant 0 : index
    %get3A_1 = vector.load %arg1[%get3A, %get3A_0] : memref<1000x128xf32, #tpu.memory_space<vmem>>, vector<1000x128xf32>
    %get3A_2 = arith.constant 0 : index
    %get3A_3 = arith.constant 0 : index
    %get3A_4 = vector.load %arg2[%get3A_2, %get3A_3] : memref<128x128xf32, #tpu.memory_space<vmem>>, vector<128x128xf32>
    %dot_general3A = arith.constant dense<0.000000e+00> : vector<1000x128xf32>
    %dot_general3A_5 = tpu.matmul %get3A_1, %get3A_4, %dot_general3A {dimension_numbers = #tpu.dot_dimension_numbers<[1], [0], [0], [1], [0, 0, 1, 1], [], []>, transpose_lhs_hint = false} : vector<1000x128xf32>, vector<128x128xf32>, vector<1000x128xf32> -> vector<1000x128xf32>
    %get3A_6 = arith.constant 0 : index
    %get3A_7 = arith.constant 0 : index
    %get3A_8 = vector.load %arg3[%get3A_6, %get3A_7] : memref<1x128xf32, #tpu.memory_space<vmem>>, vector<1x128xf32>
    %add3A = vector.broadcast %get3A_8 : vector<1x128xf32> to vector<1000x128xf32>
    %add3A_9 = arith.addf %dot_general3A_5, %add3A : vector<1000x128xf32>
    %swap3A = arith.constant 0 : index
    %swap3A_10 = arith.constant 0 : index
    %swap3A_11 = vector.load %arg4[%swap3A, %swap3A_10] : memref<1000x128xf32, #tpu.memory_space<vmem>>, vector<1000x128xf32>
    tpu.vector_store %arg4[%swap3A, %swap3A_10], %add3A_9 {strides = array<i32>} : memref<1000x128xf32, #tpu.memory_space<vmem>>, vector<1000x128xf32>,
    return
  }
  func.func @transform_0(%arg0: i32) -> (i32, i32) {
    %c0_i32 = arith.constant 0 : i32
    %c0_i32_0 = arith.constant 0 : i32
    return %arg0, %c0_i32 : i32, i32
  }
  func.func @transform_1(%arg0: i32) -> (i32, i32) {
    %c0_i32 = arith.constant 0 : i32
    %c0_i32_0 = arith.constant 0 : i32
    %c0_i32_1 = arith.constant 0 : i32
    return %c0_i32, %c0_i32_0 : i32, i32
  }
  func.func @transform_2(%arg0: i32) -> (i32, i32) {
    %c0_i32 = arith.constant 0 : i32
    %c0_i32_0 = arith.constant 0 : i32
    %c0_i32_1 = arith.constant 0 : i32
    return %c0_i32, %c0_i32_0 : i32, i32
  }
  func.func @transform_3(%arg0: i32) -> (i32, i32) {
    %c0_i32 = arith.constant 0 : i32
    %c0_i32_0 = arith.constant 0 : i32
    return %arg0, %c0_i32 : i32, i32
  }
}

module attributes {stable_mosaic.version = 14 : i64} {
  func.func @_tail_body(%arg0: i32, %arg1: memref<1000x128xf32, #tpu.memory_space<vmem>>, %arg2: memref<1000x128xf32, #tpu.memory_space<vmem>>, %arg3: memref<1000x128xf32, #tpu.memory_space<vmem>>, %arg4: memref<128x128xf32, #tpu.memory_space<vmem>>, %arg5: memref<1x128xf32, #tpu.memory_space<vmem>>, %arg6: memref<128x128xf32, #tpu.memory_space<vmem>>, %arg7: memref<128x128xf32, #tpu.memory_space<vmem>>, %arg8: memref<1x128xf32, #tpu.memory_space<vmem>>, %arg9: memref<1000x128xf32, #tpu.memory_space<vmem>>) attributes {dimension_semantics = [#tpu.dimension_semantics<arbitrary>], iteration_bounds = array<i64: 10>, scalar_prefetch = 0 : i64, scratch_operands = 0 : i64, tpu.core_type = #tpu.core_type<tc>, window_params = [{transform_indices = @transform_0, window_bounds = array<i64: 1000, 128>}, {transform_indices = @transform_1, window_bounds = array<i64: 1000, 128>}, {transform_indices = @transform_2, window_bounds = array<i64: 1000, 128>}, {pipeline_mode = #tpu.pipeline_mode<synchronous>, transform_indices = @transform_3, window_bounds = array<i64: 128, 128>}, {pipeline_mode = #tpu.pipeline_mode<synchronous>, transform_indices = @transform_4, window_bounds = array<i64: 1, 128>}, {pipeline_mode = #tpu.pipeline_mode<synchronous>, transform_indices = @transform_5, window_bounds = array<i64: 128, 128>}, {pipeline_mode = #tpu.pipeline_mode<synchronous>, transform_indices = @transform_6, window_bounds = array<i64: 128, 128>}, {pipeline_mode = #tpu.pipeline_mode<synchronous>, transform_indices = @transform_7, window_bounds = array<i64: 1, 128>}, {transform_indices = @transform_8, window_bounds = array<i64: 1000, 128>}]} {
    %get3A = arith.constant 0 : index
    %get3A_0 = arith.constant 0 : index
    %get3A_1 = vector.load %arg1[%get3A, %get3A_0] : memref<1000x128xf32, #tpu.memory_space<vmem>>, vector<1000x128xf32>
    %get3A_2 = arith.constant 0 : index
    %get3A_3 = arith.constant 0 : index
    %get3A_4 = vector.load %arg2[%get3A_2, %get3A_3] : memref<1000x128xf32, #tpu.memory_space<vmem>>, vector<1000x128xf32>
    %add3A = arith.addf %get3A_1, %get3A_4 : vector<1000x128xf32>
    %get3A_5 = arith.constant 0 : index
    %get3A_6 = arith.constant 0 : index
    %get3A_7 = vector.load %arg4[%get3A_5, %get3A_6] : memref<128x128xf32, #tpu.memory_space<vmem>>, vector<128x128xf32>
    %dot_general3A = arith.constant dense<0.000000e+00> : vector<1000x128xf32>
    %dot_general3A_8 = tpu.matmul %add3A, %get3A_7, %dot_general3A {dimension_numbers = #tpu.dot_dimension_numbers<[1], [0], [0], [1], [0, 0, 1, 1], [], []>, transpose_lhs_hint = false} : vector<1000x128xf32>, vector<128x128xf32>, vector<1000x128xf32> -> vector<1000x128xf32>
    %get3A_9 = arith.constant 0 : index
    %get3A_10 = arith.constant 0 : index
    %get3A_11 = vector.load %arg5[%get3A_9, %get3A_10] : memref<1x128xf32, #tpu.memory_space<vmem>>, vector<1x128xf32>
    %add3A_12 = vector.broadcast %get3A_11 : vector<1x128xf32> to vector<1000x128xf32>
    %add3A_13 = arith.addf %dot_general3A_8, %add3A_12 : vector<1000x128xf32>
    %get3A_14 = arith.constant 0 : index
    %get3A_15 = arith.constant 0 : index
    %get3A_16 = vector.load %arg3[%get3A_14, %get3A_15] : memref<1000x128xf32, #tpu.memory_space<vmem>>, vector<1000x128xf32>
    %get3A_17 = arith.constant 0 : index
    %get3A_18 = arith.constant 0 : index
    %get3A_19 = vector.load %arg6[%get3A_17, %get3A_18] : memref<128x128xf32, #tpu.memory_space<vmem>>, vector<128x128xf32>
    %dot_general3A_20 = arith.constant dense<0.000000e+00> : vector<1000x128xf32>
    %dot_general3A_21 = tpu.matmul %get3A_16, %get3A_19, %dot_general3A_20 {dimension_numbers = #tpu.dot_dimension_numbers<[1], [0], [0], [1], [0, 0, 1, 1], [], []>, transpose_lhs_hint = false} : vector<1000x128xf32>, vector<128x128xf32>, vector<1000x128xf32> -> vector<1000x128xf32>
    %add3A_22 = arith.addf %add3A_13, %dot_general3A_21 : vector<1000x128xf32>
    %tanh3A = math.tanh %add3A_22 : vector<1000x128xf32>
    %get3A_23 = arith.constant 0 : index
    %get3A_24 = arith.constant 0 : index
    %get3A_25 = vector.load %arg7[%get3A_23, %get3A_24] : memref<128x128xf32, #tpu.memory_space<vmem>>, vector<128x128xf32>
    %dot_general3A_26 = arith.constant dense<0.000000e+00> : vector<1000x128xf32>
    %dot_general3A_27 = tpu.matmul %tanh3A, %get3A_25, %dot_general3A_26 {dimension_numbers = #tpu.dot_dimension_numbers<[1], [0], [0], [1], [0, 0, 1, 1], [], []>, transpose_lhs_hint = false} : vector<1000x128xf32>, vector<128x128xf32>, vector<1000x128xf32> -> vector<1000x128xf32>
    %get3A_28 = arith.constant 0 : index
    %get3A_29 = arith.constant 0 : index
    %get3A_30 = vector.load %arg8[%get3A_28, %get3A_29] : memref<1x128xf32, #tpu.memory_space<vmem>>, vector<1x128xf32>
    %add3A_31 = vector.broadcast %get3A_30 : vector<1x128xf32> to vector<1000x128xf32>
    %add3A_32 = arith.addf %dot_general3A_27, %add3A_31 : vector<1000x128xf32>
    %swap3A = arith.constant 0 : index
    %swap3A_33 = arith.constant 0 : index
    %swap3A_34 = vector.load %arg9[%swap3A, %swap3A_33] : memref<1000x128xf32, #tpu.memory_space<vmem>>, vector<1000x128xf32>
    tpu.vector_store %arg9[%swap3A, %swap3A_33], %add3A_32 {strides = array<i32>} : memref<1000x128xf32, #tpu.memory_space<vmem>>, vector<1000x128xf32>,
    return
  }
  func.func @transform_0(%arg0: i32) -> (i32, i32) {
    %c0_i32 = arith.constant 0 : i32
    %c0_i32_0 = arith.constant 0 : i32
    return %arg0, %c0_i32 : i32, i32
  }
  func.func @transform_1(%arg0: i32) -> (i32, i32) {
    %c0_i32 = arith.constant 0 : i32
    %c0_i32_0 = arith.constant 0 : i32
    return %arg0, %c0_i32 : i32, i32
  }
  func.func @transform_2(%arg0: i32) -> (i32, i32) {
    %c0_i32 = arith.constant 0 : i32
    %c0_i32_0 = arith.constant 0 : i32
    return %arg0, %c0_i32 : i32, i32
  }
  func.func @transform_3(%arg0: i32) -> (i32, i32) {
    %c0_i32 = arith.constant 0 : i32
    %c0_i32_0 = arith.constant 0 : i32
    %c0_i32_1 = arith.constant 0 : i32
    return %c0_i32, %c0_i32_0 : i32, i32
  }
  func.func @transform_4(%arg0: i32) -> (i32, i32) {
    %c0_i32 = arith.constant 0 : i32
    %c0_i32_0 = arith.constant 0 : i32
    %c0_i32_1 = arith.constant 0 : i32
    return %c0_i32, %c0_i32_0 : i32, i32
  }
  func.func @transform_5(%arg0: i32) -> (i32, i32) {
    %c0_i32 = arith.constant 0 : i32
    %c0_i32_0 = arith.constant 0 : i32
    %c0_i32_1 = arith.constant 0 : i32
    return %c0_i32, %c0_i32_0 : i32, i32
  }
  func.func @transform_6(%arg0: i32) -> (i32, i32) {
    %c0_i32 = arith.constant 0 : i32
    %c0_i32_0 = arith.constant 0 : i32
    %c0_i32_1 = arith.constant 0 : i32
    return %c0_i32, %c0_i32_0 : i32, i32
  }
  func.func @transform_7(%arg0: i32) -> (i32, i32) {
    %c0_i32 = arith.constant 0 : i32
    %c0_i32_0 = arith.constant 0 : i32
    %c0_i32_1 = arith.constant 0 : i32
    return %c0_i32, %c0_i32_0 : i32, i32
  }
  func.func @transform_8(%arg0: i32) -> (i32, i32) {
    %c0_i32 = arith.constant 0 : i32
    %c0_i32_0 = arith.constant 0 : i32
    return %arg0, %c0_i32 : i32, i32
  }
}

</mosaic_0001>

<sc_bundles>
// kernel: kernel.5.cloned.1.call-start
scs
__scs_entry_jumppad:
0x0: {  	(pc) =	sbr.rel $0x88, $3  }
0x1: {  	(tag) =	ssettag $0x0;
	lr =	simm.s32 $0x1  }
0x2: {  	[smem:$0x3F98] =	sst lr;
	_ =	strace $0xD0000000  }
0x3: {  	_ = 	snop  }
0x4: {  	_ = 	snop  }
0x5: {  	_ = 	snop  }
0x6: {  	_ = 	snop  }
0x7: {  	_ = 	snop  }
__scs_overlays_trampoline_lowered:
0x8: {  	[smem:$0x3FA7] =	sst s0  }
0x9: {  	[smem:$0x3FA8] =	sst s1  }
0xa: {  	[smem:$0x3FA9] =	sst s2  }
0xb: {  	[smem:$0x3FAA] =	sst s3  }
0xc: {  	[smem:$0x3FAB] =	sst s4  }
0xd: {  	[smem:$0x3FAC] =	sst s5  }
0xe: {  	[smem:$0x3FAD] =	sst s6  }
0xf: {  	[smem:$0x3FAE] =	sst s7  }
0x10: {  	[smem:$0x3FAF] =	sst s8  }
0x11: {  	[smem:$0x3FB0] =	sst s9;
	s0 =	simm.s32 @!p0 $0x0  }
0x12: {  	s1 =	sld [smem:$0x3F96];
	s0 =	simm.s32 @p0 $0x1  }
0x13: {  	[smem:$0x3FB1] =	sst s0;
	s0 =	simm.s32 @!p1 $0x0  }
0x14: {  	s2 =	sld [smem:$0x3F95];
	s0 =	simm.s32 @p1 $0x1  }
0x15: {  	[smem:$0x3FB2] =	sst s0;
	s0 =	simm.s32 @!p2 $0x0  }
0x16: {  	s3 =	sld [smem:$0x3FDB];
	s0 =	simm.s32 @p2 $0x1  }
0x17: {  	s4 =	simm.s32 $0x1BF5;
	[smem:$0x3FB4] =	sst s0  }
0x18: {  	s0 =	sld [smem:$0x3F97];
	_ =	swait.ge [sflag:s4], $0x0  }
0x19: {  	s7 =	sld [smem:$0x3F98]  }
0x1a: {  	s8 =	sadd.s32 $0xFFFFE003, lr  }
0x1b: {  	s9 =	sadd.s32 $0xFFFFFEF7, lr;
	s5 =	simm.s32 $0xFFFFFFFF;
	p2 =	slt.u32 s8, $0xFFFFF086  }
0x1c: {  	p1 =	slt.u32 s9, $0xF7A;
	s5 =	simm.s32 @!p2 $0x0  }
0x1d: {  	s5 =	simm.s32 @p1 $0x1;
	p0 =	seq.s32 s7, s2  }
0x1e: {  	s7 =	smul.u32 @!p0 $0xF7A, s2;
	p2 =	seq.s32 @!p0 s5, $0x0  }
0x1f: {  	s9 =	smul.u32 $0xF7A, s1;
	s8 =	simm.s32 @!p0 $0x1BF5;
	p2 =	por !p2, p0  }
0x20: {  	[sflag:s8] =	ssyncset.s32 @!p0 $0xFFFFF086;
	s6 =	sadd.s32 @!p0 s3, s7;
	s7 =	simm.s32 @!p0 $0x108  }
0x21: {  	s3 =	sadd.s32 s3, s9;
	s6 =	sadd.s32 @!p0 $0x88, s6;
	s7 =	simm.s32 @p2 $0x1082  }
0x22: {  	[simem:s7], [sflag:s8] =	dma.local @!p0 [hbm:s6], $0xF7A  }
0x23: {  	s9 =	sor.u32 $0xD0000000, s2;
	s6 =	simm.s32 $0x108;
	_ =	swait.ge @!p0 [sflag:s8], $0x0  }
0x24: {  	s3 =	sadd.s32 $0x88, s3;
	s6 =	simm.s32 @!p1 $0x1082;
	[sflag:s4] =	ssyncset.s32 $0xFFFFF086  }
0x25: {  	[simem:s6], [sflag:s4] =	dma.local [hbm:s3], $0xF7A  }
0x26: {  	[smem:$0x3F98] =	sst s1;
	(tag) =	ssettag s2;
	_ =	strace s9  }
0x27: {  	s1 =	sld [smem:$0x3FA8]  }
0x28: {  	s2 =	sld [smem:$0x3FA9]  }
0x29: {  	s4 =	sld [smem:$0x3FAB]  }
0x2a: {  	p0 =	seq.s32 s5, $0x0;
	s5 =	sld [smem:$0x3FAC]  }
0x2b: {  	s6 =	sld [smem:$0x3FAD]  }
0x2c: {  	s7 =	sld [smem:$0x3FAE]  }
0x2d: {  	s3 =	simm.s32 $0x108;
	s8 =	sld [smem:$0x3FAF]  }
0x2e: {  	s3 =	simm.s32 @!p0 $0x1082;
	s9 =	sld [smem:$0x3FB0]  }
0x2f: {  	lr =	sadd.s32 s0, s3;
	s0 =	sld [smem:$0x3FA7]  }
0x30: {  	s3 =	sld [smem:$0x3FAA]  }
0x31: {  	[smem:$0x3FB3] =	sst s10  }
0x32: {  	s10 =	sld [smem:$0x3FB1];
	_ =	sdelay $0x3  }
0x33: {  	p0 =	seq.s32 s10, $0x1;
	s10 =	sld [smem:$0x3FB3];
	_ =	sdelay $0x3  }
0x34: {  	[smem:$0x3FB3] =	sst s10  }
0x35: {  	s10 =	sld [smem:$0x3FB2];
	_ =	sdelay $0x3  }
0x36: {  	p1 =	seq.s32 s10, $0x1;
	s10 =	sld [smem:$0x3FB3];
	_ =	sdelay $0x3  }
0x37: {  	[smem:$0x3FB3] =	sst s10  }
0x38: {  	s10 =	sld [smem:$0x3FB4]  }
0x39: {  	_ = 	snop;
	(pc) =	sbr.ind lr, $3  }
0x3a: {  	_ = 	snop  }
0x3b: {  	_ = 	snop  }
0x3c: {  	p2 =	seq.s32 s10, $0x1;
	s10 =	sld [smem:$0x3FB3]  }
0x3d: {  	_ =	shalt  }
0x3e: {  	_ =	shalt  }
0x3f: {  	_ =	shalt  }
0x40: {  	_ =	shalt  }
0x41: {  	_ =	shalt  }
0x42: {  	_ =	shalt  }
0x43: {  	_ =	shalt  }
0x44: {  	_ =	shalt  }
0x45: {  	_ =	shalt  }
0x46: {  	_ =	shalt  }
0x47: {  	_ =	shalt  }
0x48: {  	_ =	shalt  }
0x49: {  	_ =	shalt  }
0x4a: {  	_ =	shalt  }
0x4b: {  	_ =	shalt  }
0x4c: {  	_ =	shalt  }
0x4d: {  	_ =	shalt  }
0x4e: {  	_ =	shalt  }
0x4f: {  	_ =	shalt  }
0x50: {  	_ =	shalt  }
0x51: {  	_ =	shalt  }
0x52: {  	_ =	shalt  }
0x53: {  	_ =	shalt  }
0x54: {  	_ =	shalt  }
0x55: {  	_ =	shalt  }
0x56: {  	_ =	shalt  }
0x57: {  	_ =	shalt  }
0x58: {  	_ =	shalt  }
0x59: {  	_ =	shalt  }
0x5a: {  	_ =	shalt  }
0x5b: {  	_ =	shalt  }
0x5c: {  	_ =	shalt  }
0x5d: {  	_ =	shalt  }
0x5e: {  	_ =	shalt  }
0x5f: {  	_ =	shalt  }
0x60: {  	_ =	shalt  }
0x61: {  	_ =	shalt  }
0x62: {  	_ =	shalt  }
0x63: {  	_ =	shalt  }
0x64: {  	_ =	shalt  }
0x65: {  	_ =	shalt  }
0x66: {  	_ =	shalt  }
0x67: {  	_ =	shalt  }
0x68: {  	_ =	shalt  }
0x69: {  	_ =	shalt  }
0x6a: {  	_ =	shalt  }
0x6b: {  	_ =	shalt  }
0x6c: {  	_ =	shalt  }
0x6d: {  	_ =	shalt  }
0x6e: {  	_ =	shalt  }
0x6f: {  	_ =	shalt  }
0x70: {  	_ =	shalt  }
0x71: {  	_ =	shalt  }
0x72: {  	_ =	shalt  }
0x73: {  	_ =	shalt  }
0x74: {  	_ =	shalt  }
0x75: {  	_ =	shalt  }
0x76: {  	_ =	shalt  }
0x77: {  	_ =	shalt  }
0x78: {  	_ =	shalt  }
0x79: {  	_ =	shalt  }
0x7a: {  	_ =	shalt  }
0x7b: {  	_ =	shalt  }
0x7c: {  	_ =	shalt  }
0x7d: {  	_ =	shalt  }
0x7e: {  	_ =	shalt  }
0x7f: {  	_ =	shalt  }
0x80: {  	_ =	shalt  }
0x81: {  	_ =	shalt  }
0x82: {  	_ =	shalt  }
0x83: {  	_ =	shalt  }
0x84: {  	_ =	shalt  }
0x85: {  	_ =	shalt  }
0x86: {  	_ =	shalt  }
0x87: {  	_ =	shalt  }
.Lfunc_end0:
.L_simem_size_0:
called_computation_lowered:
.L_overlay_start_0:
0x88: {  	s2 =	sld [smem:$0x3FD9]  }
0x89: {  	s3 =	sld [smem:$0x3FFE];
	_ =	sdelay $0x1  }
0x8a: {  	s1 =	srdreg.scid  }
0x8b: {  	s0 =	sand.u32 $0x1, s1  }
0x8c: {  	s17 =	sshll.u32 s0, $0xA;
	s2 =	sadd.s32 s3, s2  }
0x8d: {  	s2 =	sadd.s32 s2, s17  }
0x8e: {  	[smem:$0x3FBF] =	sst s2  }
0x8f: {  	_ = 	snop  }
0x90: {  	s2 =	sld [smem:$0x3FD0];
	(tm) =	ssettm $0x1  }
0x91: {  	s18 =	sld [smem:$0x3FFB];
	_ =	sdelay $0x3  }
0x92: {  	_ =	strace s18  }
0x93: {  	s3 =	sld [smem:$0x3FFC];
	_ =	sdelay $0x3  }
0x94: {  	_ =	strace s3  }
0x95: {  	s3 =	sld [smem:$0x3FFD];
	_ =	sdelay $0x3  }
0x96: {  	_ =	strace s3  }
0x97: {  	_ =	strace $0x8FFFFFFF  }
0x98: {  	s19 =	sld [smem:$0x3FDB];
	_ =	sdelay $0x1  }
0x99: {  	s4 =	simm.s32 $_scs_section_size  }
0x9a: {  	s5 =	simm.s32 $_size__tile_overlayer_lowered;
	s6 =	simm.s32 $_tile_overlayer_lowered  }
0x9b: {  	s22 =	simm.s32 $0x1BFF;
	s21 =	sshll.u32 s6, $0x1;
	s3 =	sadd.s32 s4, s19  }
0x9c: {  	s7 =	simm.s32 $0x0;
	s20 =	sshll.u32 s5, $0x1;
	s5 =	sadd.s32 s21, s3  }
0x9d: {  	[timem:s7], [sflag:s22] =	dma.local [hbm:s5], s20  }
0x9e: {  	_ =	swait.ge [sflag:s22], s20  }
0x9f: {  	s4 =	ssub.s32 $0x0, s20;
	[sflag:s22] =	ssyncset.done $0x0  }
0xa0: {  	[sflag:s22] =	ssyncadd.s32 s4;
	_ =	sdelay $0x1  }
0xa1: {  	s23 =	simm.s32 $0x1B8B  }
0xa2: {  	_ =	swait.ge [sflag:s23], $0x1  }
0xa3: {  	[sflag:s23] =	ssyncset.done $0x0  }
0xa4: {  	s25 =	simm.s32 $0x1B8E;
	s24 =	sld [smem:$0x3FFE];
	[sflag:s23] =	ssyncadd.s32 $0xFFFFFFFF  }
0xa5: {  	s26 =	simm.s32 $execute0_lowered;
	[smem:$0x3FD2] =	sst s25  }
0xa6: {  	s5 =	sshll.u32 s26, $0x1;
	_ =	strace $0x80000046;
	[dreg:$0x1] =	wrdreg $0xFFFFFFFF  }
0xa7: {  	s28 =	simm.s32 $_size_execute0_lowered;
	s3 =	sadd.s32 s3, s5;
	[dreg:$0x0] =	wrdreg $0x0  }
0xa8: {  	s5 =	sshll.u32 s28, $0x1;
	[dreg:$0x2] =	wrdreg s3  }
0xa9: {  	[dreg:$0x3] =	wrdreg s5  }
0xaa: {  	[dreg:$0x4] =	wrdreg $0xC0  }
0xab: {  	_ =	task [dreg:s7], $0x5FFFF  }
0xac: {  	[dreg:$0x1] =	wrdreg $0xFFFFFFFF  }
0xad: {  	[dreg:$0x0] =	wrdreg $0x60  }
0xae: {  	[dreg:$0x2] =	wrdreg s2  }
0xaf: {  	[dreg:$0x3] =	wrdreg s24  }
0xb0: {  	[dreg:$0x4] =	wrdreg $0x7E000  }
0xb1: {  	[dreg:$0x5] =	wrdreg $0x9  }
0xb2: {  	_ =	task.clear_ibuf [dreg:s7], $0x6FFFF;
	_ =	strace $0x90000046  }
0xb3: {  	s29 =	simm.s32 $0x9;
	_ =	strace $0x80000048  }
0xb4: {  	_ =	swait.ge [sflag:s29], $0x1  }
0xb5: {  	[sflag:s29] =	ssyncadd.s32 $0xFFFFFFFF  }
0xb6: {  	_ =	strace $0x90000048  }
0xb7: {  	_ =	sfence  }
0xb8: {  	s30 =	sld [smem:$0x0];
	_ =	sdelay $0x2  }
0xb9: {  	s31 =	sshll.u32 s1, $0xD;
	s1 =	sshrl.u32 s1, $0x2  }
0xba: {  	s3 =	sand.u32 $0x4000, s31;
	s1 =	sadd.s32 s1, s30  }
0xbb: {  	s0 =	sor.u32 s3, s0;
	s1 =	sshll.u32 s1, $0x11  }
0xbc: {  	s0 =	sor.u32 s1, s0  }
0xbd: {  	s0 =	sadd.s32 $0x8F2B, s0  }
0xbe: {  	[sflag:s0] =	ssyncadd.remote.s32 $0x1  }
0xbf: {  	_ =	sfence.sel $0xFFFF  }
0xc0: {  	[dreg:$0x0] =	wrdreg $0xFFFFFFFF;
	(pc) =	sbr.abs _section_cstart, $3  }
0xc1: {  	[dreg:$0x1] =	wrdreg $0xFFFFFFFF  }
0xc2: {  	_ =	task.clear_ibuf [dreg:s7], $0x2FFFF;
	_ =	strace $0x9FFFFFFF  }
0xc3: {  	(tm) =	ssettm $0x7FFFFFFF  }
tec
execute0_lowered:
.L_overlay_start_1:
0x0: {  	(tag) =	ssettag $0x1  }
0x1: {  	s1 =	rddreg [dreg:$0x0]  }
0x2: {  	s0 =	rddreg [dreg:$0x1]  }
0x3: {  	s2 =	rddreg [dreg:$0x2];
	s3 =	srdreg.scid;
	s4 =	simm.s32 $0x0  }
0x4: {  	s11 =	stileid.u32;
	s29 =	simm.s32 $0x100;
	s28 =	simm.s32 $0x7  }
0x5: {  	s30 =	simm.s32 $0x2;
	s31 =	simm.s32 $0x2E00;
	s6 =	smul.u32 $0x14000, s11  }
0x6: {  	s3 =	sand.u32 $0x1, s3;
	[smem:$0x7FF] =	sst s4;
	s9 =	smul.u32 $0x50000, s11  }
0x7: {  	s7 =	sadd.s32 $0x1800, s0;
	s8 =	sadd.s32 $0x21000, s0;
	s22 =	smul.u32 $0x7E00, s11  }
0x8: {  	s21 =	sshll.u32 s11, $0x6;
	s5 =	smul.u32 $0x140000, s3;
	_ =	strace $0x80000047  }
0x9: {  	[dreg:$0xa] =	wrdreg s8;
	s18 =	sshll.u32 s3, $0x4;
	s19 =	ssub.s32 $0x2, s3  }
0xa: {  	s3 =	smul.u32 $0x7E000, s3;
	s10 =	sshrl.u32 s19, $0x1;
	s20 =	sshrl.u32 s9, $0x2  }
0xb: {  	s5 =	sadd.s32 s6, s5;
	s6 =	sor.u32 s11, s18;
	s8 =	sadd.s32 s20, s2  }
0xc: {  	s3 =	sadd.s32 s22, s3;
	s5 =	sshrl.u32 s5, $0x3;
	s6 =	smul.u32 $0x7E00, s6  }
0xd: {  	s15 =	sadd.s32 $0xD00, s3;
	s16 =	sadd.s32 $0xC00, s3;
	s0 =	sadd.s32 s5, s0  }
0xe: {  	s5 =	ssub.s32 s19, s10;
	s19 =	sor.u32 $0x1C0D, s21;
	s9 =	sshrl.u32 s15, $0x3  }
0xf: {  	s18 =	sshrl.u32 s16, $0x3;
	s17 =	sadd.s32 s9, s7;
	[dreg:$0xc] =	wrdreg s19  }
0x10: {  	s13 =	sadd.s32 $0xE00, s3;
	s20 =	sadd.s32 s18, s7;
	[dreg:$0x5] =	wrdreg s17  }
0x11: {  	s6 =	sshrl.u32 s6, $0x3;
	s0 =	sadd.s32 $0x23800, s0;
	[dreg:$0x6] =	wrdreg s20  }
0x12: {  	s21 =	sadd.s32 $0xB00, s3;
	s12 =	sadd.s32 s7, s6;
	[dreg:$0x15] =	wrdreg s0  }
0x13: {  	s16 =	simm.s32 $0x5;
	s20 =	sshrl.u32 s8, $0x3;
	[dreg:$0xb] =	wrdreg s12  }
0x14: {  	s15 =	simm.s32 $0x280;
	s23 =	sadd.s32 $0x20, s12;
	[dreg:$0x17] =	wrdreg s20  }
0x15: {  	s22 =	sshrl.u32 s21, $0x3;
	s24 =	sadd.s32 $0x40, s12;
	[dreg:$0xd] =	wrdreg s23  }
0x16: {  	s21 =	simm.s32 $0xD;
	s25 =	sadd.s32 $0x60, s12;
	[dreg:$0xe] =	wrdreg s24  }
0x17: {  	s6 =	sshrl.u32 s13, $0x3;
	s26 =	sadd.s32 $0x80, s12;
	[dreg:$0xf] =	wrdreg s25  }
0x18: {  	s0 =	simm.s32 $0x500;
	s10 =	sadd.s32 $0xA0, s12;
	[dreg:$0x10] =	wrdreg s26  }
0x19: {  	s8 =	simm.s32 $0x3;
	s11 =	sadd.s32 $0xC0, s12;
	[dreg:$0x11] =	wrdreg s10  }
0x1a: {  	s13 =	simm.s32 $0x4;
	s14 =	sadd.s32 $0xE0, s12;
	[dreg:$0x12] =	wrdreg s11  }
0x1b: {  	s17 =	simm.s32 $0xC;
	s6 =	sadd.s32 s6, s7;
	[dreg:$0x13] =	wrdreg s14  }
0x1c: {  	[dreg:$0x4] =	wrdreg s6;
	s23 =	sadd.s32 $0xA00, s3;
	s6 =	sadd.s32 s22, s7  }
0x1d: {  	s3 =	sadd.s32 $0x900, s3;
	s25 =	sadd.s32 $0x100, s12;
	s26 =	smax.u32 s5, $0x1  }
0x1e: {  	s22 =	simm.s32 $0x300;
	s10 =	simm.s32 $0xA;
	[dreg:$0x7] =	wrdreg s6  }
0x1f: {  	s11 =	simm.s32 $0x9;
	s14 =	simm.s32 $0xB;
	[dreg:$0x14] =	wrdreg s25  }
0x20: {  	s9 =	sshrl.u32 s23, $0x3;
	s3 =	sshrl.u32 s3, $0x3;
	[dreg:$0x16] =	wrdreg s26  }
0x21: {  	s23 =	simm.s32 $0x1;
	s25 =	simm.s32 $0x600;
	s26 =	simm.s32 $0x400  }
0x22: {  	s6 =	simm.s32 $0x0;
	s24 =	sadd.s32 s9, s7;
	s3 =	sadd.s32 s3, s7  }
0x23: {  	s9 =	simm.s32 $0x5600;
	s7 =	simm.s32 $0x6;
	[dreg:$0x8] =	wrdreg s24  }
0x24: {  	[dreg:$0x9] =	wrdreg s3;
	s24 =	simm.s32 $0x50;
	s3 =	simm.s32 $0x8  }
.LBB2_1:
0x25: {  	[dreg:$0x18] =	wrdreg s6  }
0x26: {  	s5 =	rddreg [dreg:$0xa]  }
0x27: {  	[spmem:s20], [sflag:s19] =	dma.local [hbm:s5], $0x2800  }
0x28: {  	_ =	swait.ge [sflag:s21], $0x2800  }
0x29: {  	[sflag:s21] =	ssyncset.done $0x0  }
0x2a: {  	[sflag:s21] =	ssyncadd.s32 $0xFFFFD800  }
0x2b: {  	[bflag:$0x0] =	sbarrier.arrive $0xFFFF  }
0x2c: {  	s19 =	rddreg [dreg:$0xb]  }
0x2d: {  	[tilespmem:s4], [sflag:$0x1] =	stream.linear.gather [hbm4b:s19+s4], $0x100, $0x38;
	[tilespmem:$0x1BE00] =	vst v63  }
0x2e: {  	s20 =	rddreg [dreg:$0xd]  }
0x2f: {  	[tilespmem:s29], [sflag:$0x2] =	stream.linear.gather [hbm4b:s20+s4], $0x100, $0x38;
	[tilespmem:$0x1BE00] =	vst v63  }
0x30: {  	s21 =	rddreg [dreg:$0xe];
	s20 =	simm.s32 $0x200  }
0x31: {  	[tilespmem:s20], [sflag:$0x3] =	stream.linear.gather [hbm4b:s21+s4], $0x100, $0x38;
	[tilespmem:$0x1BE00] =	vst v63  }
0x32: {  	s6 =	rddreg [dreg:$0xf]  }
0x33: {  	[tilespmem:s22], [sflag:$0x4] =	stream.linear.gather [hbm4b:s6+s4], $0x100, $0x38;
	[tilespmem:$0x1BE00] =	vst v63  }
0x34: {  	_ =	swait.ge [sflag:s23], $0x100  }
0x35: {  	[sflag:s23] =	ssyncset.done $0x0  }
0x36: {  	[sflag:s23] =	ssyncadd.s32 $0xFFFFFF00  }
0x37: {  	[tilespmem:s25], [sflag:$0x7] =	stream.indirect.gather [hbm4b:s1+s24], $0x80, s4, s24, $0xb8;
	[tilespmem:$0x1BE00] =	vst v63  }
0x38: {  	s12 =	rddreg [dreg:$0x10]  }
0x39: {  	[tilespmem:s26], [sflag:$0x5] =	stream.linear.gather [hbm4b:s12+s4], $0x100, $0x38;
	[tilespmem:$0x1BE00] =	vst v63  }
0x3a: {  	_ =	swait.ge [sflag:s28], $0x2800  }
0x3b: {  	[sflag:s28] =	ssyncset.done $0x0  }
0x3c: {  	s6 =	simm.s32 $0x80;
	[sflag:s28] =	ssyncadd.s32 $0xFFFFD800  }
0x3d: {  	[spmem:s2] =	stream.indirect.scatter.add.f32 [tilespmem:s25], [sflag:$0xA], $0x80, s6, s24, $0xb8;
	[tilespmem:$0x1BE00] =	vst v63  }
0x3e: {  	_ =	swait.ge [sflag:s30], $0x100  }
0x3f: {  	[sflag:s30] =	ssyncset.done $0x0  }
0x40: {  	[sflag:s30] =	ssyncadd.s32 $0xFFFFFF00  }
0x41: {  	[tilespmem:s31], [sflag:$0x8] =	stream.indirect.gather [hbm4b:s1+s24], $0x80, s29, s24, $0xb8;
	[tilespmem:$0x1BE00] =	vst v63  }
0x42: {  	s18 =	rddreg [dreg:$0x11]  }
0x43: {  	[tilespmem:s0], [sflag:$0x6] =	stream.linear.gather [hbm4b:s18+s4], $0x100, $0x38;
	[tilespmem:$0x1BE00] =	vst v63  }
0x44: {  	_ =	swait.ge [sflag:s3], $0x2800  }
0x45: {  	[sflag:s3] =	ssyncset.done $0x0  }
0x46: {  	s21 =	simm.s32 $0x180;
	[sflag:s3] =	ssyncadd.s32 $0xFFFFD800  }
0x47: {  	[spmem:s2] =	stream.indirect.scatter.add.f32 [tilespmem:s31], [sflag:$0xB], $0x80, s21, s24, $0xb8;
	[tilespmem:$0x1BE00] =	vst v63  }
0x48: {  	_ =	swait.ge [sflag:s8], $0x100  }
0x49: {  	[sflag:s8] =	ssyncset.done $0x0  }
0x4a: {  	[sflag:s8] =	ssyncadd.s32 $0xFFFFFF00  }
0x4b: {  	[tilespmem:s9], [sflag:$0x9] =	stream.indirect.gather [hbm4b:s1+s24], $0x80, s20, s24, $0xb8;
	[tilespmem:$0x1BE00] =	vst v63  }
0x4c: {  	_ =	swait.ge [sflag:s10], $0x2800  }
0x4d: {  	[sflag:s10] =	ssyncset.done $0x0  }
0x4e: {  	s19 =	rddreg [dreg:$0x12];
	[sflag:s10] =	ssyncadd.s32 $0xFFFFD800  }
0x4f: {  	[tilespmem:s4], [sflag:$0x1] =	stream.linear.gather [hbm4b:s19+s4], $0x100, $0x38;
	[tilespmem:$0x1BE00] =	vst v63  }
0x50: {  	_ =	swait.ge [sflag:s11], $0x2800  }
0x51: {  	[sflag:s11] =	ssyncset.done $0x0  }
0x52: {  	s18 =	simm.s32 $0x280;
	[sflag:s11] =	ssyncadd.s32 $0xFFFFD800  }
0x53: {  	[spmem:s2] =	stream.indirect.scatter.add.f32 [tilespmem:s9], [sflag:$0xC], $0x80, s18, s24, $0xb8;
	[tilespmem:$0x1BE00] =	vst v63  }
0x54: {  	_ =	swait.ge [sflag:s13], $0x100  }
0x55: {  	[sflag:s13] =	ssyncset.done $0x0  }
0x56: {  	[sflag:s13] =	ssyncadd.s32 $0xFFFFFF00  }
0x57: {  	[tilespmem:s25], [sflag:$0x7] =	stream.indirect.gather [hbm4b:s1+s24], $0x80, s22, s24, $0xb8;
	[tilespmem:$0x1BE00] =	vst v63  }
0x58: {  	_ =	swait.ge [sflag:s14], $0x2800  }
0x59: {  	[sflag:s14] =	ssyncset.done $0x0  }
0x5a: {  	s12 =	rddreg [dreg:$0x13];
	[sflag:s14] =	ssyncadd.s32 $0xFFFFD800  }
0x5b: {  	[tilespmem:s29], [sflag:$0x2] =	stream.linear.gather [hbm4b:s12+s4], $0x100, $0x38;
	[tilespmem:$0x1BE00] =	vst v63  }
0x5c: {  	_ =	swait.ge [sflag:s28], $0x2800  }
0x5d: {  	[sflag:s28] =	ssyncset.done $0x0  }
0x5e: {  	s12 =	simm.s32 $0x380;
	[sflag:s28] =	ssyncadd.s32 $0xFFFFD800  }
0x5f: {  	[spmem:s2] =	stream.indirect.scatter.add.f32 [tilespmem:s25], [sflag:$0xA], $0x80, s12, s24, $0xb8;
	[tilespmem:$0x1BE00] =	vst v63  }
0x60: {  	_ =	swait.ge [sflag:s16], $0x100  }
0x61: {  	[sflag:s16] =	ssyncset.done $0x0  }
0x62: {  	[sflag:s16] =	ssyncadd.s32 $0xFFFFFF00  }
0x63: {  	[tilespmem:s31], [sflag:$0x8] =	stream.indirect.gather [hbm4b:s1+s24], $0x80, s26, s24, $0xb8;
	[tilespmem:$0x1BE00] =	vst v63  }
0x64: {  	_ =	swait.ge [sflag:s17], $0x2800  }
0x65: {  	[sflag:s17] =	ssyncset.done $0x0  }
0x66: {  	s19 =	rddreg [dreg:$0x14];
	[sflag:s17] =	ssyncadd.s32 $0xFFFFD800  }
0x67: {  	[tilespmem:s20], [sflag:$0x3] =	stream.linear.gather [hbm4b:s19+s4], $0x100, $0x38;
	[tilespmem:$0x1BE00] =	vst v63  }
0x68: {  	_ =	swait.ge [sflag:s3], $0x2800  }
0x69: {  	[sflag:s3] =	ssyncset.done $0x0  }
0x6a: {  	s19 =	simm.s32 $0x480;
	[sflag:s3] =	ssyncadd.s32 $0xFFFFD800  }
0x6b: {  	[spmem:s2] =	stream.indirect.scatter.add.f32 [tilespmem:s31], [sflag:$0xB], $0x80, s19, s24, $0xb8;
	[tilespmem:$0x1BE00] =	vst v63  }
0x6c: {  	_ =	swait.ge [sflag:s7], $0x100  }
0x6d: {  	[sflag:s7] =	ssyncset.done $0x0  }
0x6e: {  	[sflag:s7] =	ssyncadd.s32 $0xFFFFFF00  }
0x6f: {  	[tilespmem:s9], [sflag:$0x9] =	stream.indirect.gather [hbm4b:s1+s24], $0x80, s0, s24, $0xb8;
	[tilespmem:$0x1BE00] =	vst v63  }
0x70: {  	_ =	swait.ge [sflag:s10], $0x2800  }
0x71: {  	s5 =	rddreg [dreg:$0x9];
	[sflag:s10] =	ssyncset.done $0x0  }
0x72: {  	[sflag:s10] =	ssyncadd.s32 $0xFFFFD800;
	s19 =	sadd.s32 $0x0, s5  }
0x73: {  	[tilespmem:s22], [sflag:$0x4] =	stream.linear.gather [hbm4b:s19+s4], $0x100, $0x38;
	[tilespmem:$0x1BE00] =	vst v63  }
0x74: {  	_ =	swait.ge [sflag:s11], $0x2800  }
0x75: {  	[sflag:s11] =	ssyncset.done $0x0  }
0x76: {  	s19 =	simm.s32 $0x580;
	[sflag:s11] =	ssyncadd.s32 $0xFFFFD800  }
0x77: {  	[spmem:s2] =	stream.indirect.scatter.add.f32 [tilespmem:s9], [sflag:$0xC], $0x80, s19, s24, $0xb8;
	[tilespmem:$0x1BE00] =	vst v63  }
0x78: {  	_ =	swait.ge [sflag:s23], $0x100  }
0x79: {  	[sflag:s23] =	ssyncset.done $0x0  }
0x7a: {  	[sflag:s23] =	ssyncadd.s32 $0xFFFFFF00  }
0x7b: {  	[tilespmem:s25], [sflag:$0x7] =	stream.indirect.gather [hbm4b:s1+s24], $0x80, s4, s24, $0xb8;
	[tilespmem:$0x1BE00] =	vst v63  }
0x7c: {  	_ =	swait.ge [sflag:s14], $0x2800  }
0x7d: {  	s5 =	rddreg [dreg:$0x8];
	[sflag:s14] =	ssyncset.done $0x0  }
0x7e: {  	[sflag:s14] =	ssyncadd.s32 $0xFFFFD800;
	s19 =	sadd.s32 $0x0, s5  }
0x7f: {  	[tilespmem:s26], [sflag:$0x5] =	stream.linear.gather [hbm4b:s19+s4], $0x100, $0x38;
	[tilespmem:$0x1BE00] =	vst v63  }
0x80: {  	_ =	swait.ge [sflag:s28], $0x2800  }
0x81: {  	[sflag:s28] =	ssyncset.done $0x0  }
0x82: {  	[sflag:s28] =	ssyncadd.s32 $0xFFFFD800  }
0x83: {  	[spmem:s2] =	stream.indirect.scatter.add.f32 [tilespmem:s25], [sflag:$0xA], $0x80, s6, s24, $0xb8;
	[tilespmem:$0x1BE00] =	vst v63  }
0x84: {  	_ =	swait.ge [sflag:s30], $0x100  }
0x85: {  	[sflag:s30] =	ssyncset.done $0x0  }
0x86: {  	[sflag:s30] =	ssyncadd.s32 $0xFFFFFF00  }
0x87: {  	[tilespmem:s31], [sflag:$0x8] =	stream.indirect.gather [hbm4b:s1+s24], $0x80, s29, s24, $0xb8;
	[tilespmem:$0x1BE00] =	vst v63  }
0x88: {  	_ =	swait.ge [sflag:s17], $0x2800  }
0x89: {  	s6 =	rddreg [dreg:$0x7];
	[sflag:s17] =	ssyncset.done $0x0  }
0x8a: {  	[sflag:s17] =	ssyncadd.s32 $0xFFFFD800;
	s19 =	sadd.s32 $0x0, s6  }
0x8b: {  	[tilespmem:s0], [sflag:$0x6] =	stream.linear.gather [hbm4b:s19+s4], $0x100, $0x38;
	[tilespmem:$0x1BE00] =	vst v63  }
0x8c: {  	_ =	swait.ge [sflag:s3], $0x2800  }
0x8d: {  	[sflag:s3] =	ssyncset.done $0x0  }
0x8e: {  	[sflag:s3] =	ssyncadd.s32 $0xFFFFD800  }
0x8f: {  	[spmem:s2] =	stream.indirect.scatter.add.f32 [tilespmem:s31], [sflag:$0xB], $0x80, s21, s24, $0xb8;
	[tilespmem:$0x1BE00] =	vst v63  }
0x90: {  	_ =	swait.ge [sflag:s8], $0x100  }
0x91: {  	[sflag:s8] =	ssyncset.done $0x0  }
0x92: {  	[sflag:s8] =	ssyncadd.s32 $0xFFFFFF00  }
0x93: {  	[tilespmem:s9], [sflag:$0x9] =	stream.indirect.gather [hbm4b:s1+s24], $0x80, s20, s24, $0xb8;
	[tilespmem:$0x1BE00] =	vst v63  }
0x94: {  	_ =	swait.ge [sflag:s10], $0x2800  }
0x95: {  	p0 =	por $0x0, $0x0;
	s19 =	rddreg [dreg:$0x6];
	[sflag:s10] =	ssyncset.done $0x0  }
0x96: {  	s5 =	simm.s32 @!p0 $0x0;
	[sflag:s10] =	ssyncadd.s32 $0xFFFFD800;
	s19 =	sadd.s32 @!p0 $0x0, s19  }
0x97: {  	[tilespmem:s5], [sflag:$0x1] =	stream.linear.gather @!p0 [hbm4b:s19+s5], $0x100, $0x38;
	[tilespmem:$0x1BE00] =	vst v63  }
0x98: {  	_ =	swait.ge [sflag:s11], $0x2800  }
0x99: {  	[sflag:s11] =	ssyncset.done $0x0  }
0x9a: {  	[sflag:s11] =	ssyncadd.s32 $0xFFFFD800  }
0x9b: {  	[spmem:s2] =	stream.indirect.scatter.add.f32 [tilespmem:s9], [sflag:$0xC], $0x80, s18, s24, $0xb8;
	[tilespmem:$0x1BE00] =	vst v63  }
0x9c: {  	_ =	swait.ge [sflag:s13], $0x100  }
0x9d: {  	[sflag:s13] =	ssyncset.done $0x0  }
0x9e: {  	[sflag:s13] =	ssyncadd.s32 $0xFFFFFF00  }
0x9f: {  	[tilespmem:s25], [sflag:$0x7] =	stream.indirect.gather [hbm4b:s1+s24], $0x80, s22, s24, $0xb8;
	[tilespmem:$0x1BE00] =	vst v63  }
0xa0: {  	_ =	swait.ge [sflag:s14], $0x2800  }
0xa1: {  	s19 =	rddreg [dreg:$0x5];
	[sflag:s14] =	ssyncset.done $0x0  }
0xa2: {  	s20 =	simm.s32 @!p0 $0x100;
	[sflag:s14] =	ssyncadd.s32 $0xFFFFD800;
	s19 =	sadd.s32 @!p0 $0x0, s19  }
0xa3: {  	[tilespmem:s20], [sflag:$0x2] =	stream.linear.gather @!p0 [hbm4b:s19+s5], $0x100, $0x38;
	[tilespmem:$0x1BE00] =	vst v63  }
0xa4: {  	_ =	swait.ge [sflag:s28], $0x2800  }
0xa5: {  	[sflag:s28] =	ssyncset.done $0x0  }
0xa6: {  	[sflag:s28] =	ssyncadd.s32 $0xFFFFD800  }
0xa7: {  	[spmem:s2] =	stream.indirect.scatter.add.f32 [tilespmem:s25], [sflag:$0xA], $0x80, s12, s24, $0xb8;
	[tilespmem:$0x1BE00] =	vst v63  }
0xa8: {  	_ =	swait.ge [sflag:s16], $0x100  }
0xa9: {  	[sflag:s16] =	ssyncset.done $0x0  }
0xaa: {  	[sflag:s16] =	ssyncadd.s32 $0xFFFFFF00  }
0xab: {  	[tilespmem:s31], [sflag:$0x8] =	stream.indirect.gather [hbm4b:s1+s24], $0x80, s26, s24, $0xb8;
	[tilespmem:$0x1BE00] =	vst v63  }
0xac: {  	_ =	swait.ge [sflag:s17], $0x2800  }
0xad: {  	s19 =	rddreg [dreg:$0x4];
	[sflag:s17] =	ssyncset.done $0x0  }
0xae: {  	s20 =	simm.s32 @!p0 $0x200;
	[sflag:s17] =	ssyncadd.s32 $0xFFFFD800;
	s19 =	sadd.s32 @!p0 $0x0, s19  }
0xaf: {  	[tilespmem:s20], [sflag:$0x3] =	stream.linear.gather @!p0 [hbm4b:s19+s5], $0x100, $0x38;
	[tilespmem:$0x1BE00] =	vst v63  }
0xb0: {  	_ =	swait.ge [sflag:s3], $0x2800  }
0xb1: {  	[sflag:s3] =	ssyncset.done $0x0  }
0xb2: {  	s21 =	simm.s32 $0x480;
	[sflag:s3] =	ssyncadd.s32 $0xFFFFD800  }
0xb3: {  	[spmem:s2] =	stream.indirect.scatter.add.f32 [tilespmem:s31], [sflag:$0xB], $0x80, s21, s24, $0xb8;
	[tilespmem:$0x1BE00] =	vst v63  }
0xb4: {  	_ =	swait.ge [sflag:s7], $0x100  }
0xb5: {  	s6 =	simm.s32 $0x200;
	s18 =	simm.s32 $0x380;
	[sflag:s7] =	ssyncset.done $0x0  }
0xb6: {  	s12 =	simm.s32 $0x480;
	s19 =	simm.s32 $0xC0;
	[sflag:s7] =	ssyncadd.s32 $0xFFFFFF00  }
.LBB2_2:
0xb7: {  	[tilespmem:s9], [sflag:$0x9] =	stream.indirect.gather [hbm4b:s1+s24], $0x80, s0, s24, $0xb8;
	[tilespmem:$0x1BE00] =	vst v63  }
0xb8: {  	_ =	swait.ge [sflag:s10], $0x2800  }
0xb9: {  	s20 =	smov.u32 s19;
	s21 =	rddreg [dreg:$0x9];
	[sflag:s10] =	ssyncset.done $0x0  }
0xba: {  	[sflag:s10] =	ssyncadd.s32 $0xFFFFD800;
	s21 =	sadd.s32 s20, s21  }
0xbb: {  	[tilespmem:s22], [sflag:$0x4] =	stream.linear.gather [hbm4b:s21+s4], $0x100, $0x38;
	[tilespmem:$0x1BE00] =	vst v63  }
0xbc: {  	_ =	swait.ge [sflag:s11], $0x2800  }
0xbd: {  	[sflag:s11] =	ssyncset.done $0x0  }
0xbe: {  	s5 =	simm.s32 $0x580;
	[sflag:s11] =	ssyncadd.s32 $0xFFFFD800  }
0xbf: {  	[spmem:s2] =	stream.indirect.scatter.add.f32 [tilespmem:s9], [sflag:$0xC], $0x80, s5, s24, $0xb8;
	[tilespmem:$0x1BE00] =	vst v63  }
0xc0: {  	_ =	swait.ge [sflag:s23], $0x100  }
0xc1: {  	[sflag:s23] =	ssyncset.done $0x0  }
0xc2: {  	[sflag:s23] =	ssyncadd.s32 $0xFFFFFF00  }
0xc3: {  	[tilespmem:s25], [sflag:$0x7] =	stream.indirect.gather [hbm4b:s1+s24], $0x80, s4, s24, $0xb8;
	[tilespmem:$0x1BE00] =	vst v63  }
0xc4: {  	_ =	swait.ge [sflag:s14], $0x2800  }
0xc5: {  	s5 =	rddreg [dreg:$0x8];
	[sflag:s14] =	ssyncset.done $0x0  }
0xc6: {  	[sflag:s14] =	ssyncadd.s32 $0xFFFFD800;
	s21 =	sadd.s32 s20, s5  }
0xc7: {  	[tilespmem:s26], [sflag:$0x5] =	stream.linear.gather [hbm4b:s21+s4], $0x100, $0x38;
	[tilespmem:$0x1BE00] =	vst v63  }
0xc8: {  	_ =	swait.ge [sflag:s28], $0x2800  }
0xc9: {  	[sflag:s28] =	ssyncset.done $0x0  }
0xca: {  	s21 =	simm.s32 $0x80;
	[sflag:s28] =	ssyncadd.s32 $0xFFFFD800  }
0xcb: {  	[spmem:s2] =	stream.indirect.scatter.add.f32 [tilespmem:s25], [sflag:$0xA], $0x80, s21, s24, $0xb8;
	[tilespmem:$0x1BE00] =	vst v63  }
0xcc: {  	_ =	swait.ge [sflag:s30], $0x100  }
0xcd: {  	[sflag:s30] =	ssyncset.done $0x0  }
0xce: {  	[sflag:s30] =	ssyncadd.s32 $0xFFFFFF00  }
0xcf: {  	[tilespmem:s31], [sflag:$0x8] =	stream.indirect.gather [hbm4b:s1+s24], $0x80, s29, s24, $0xb8;
	[tilespmem:$0x1BE00] =	vst v63  }
0xd0: {  	_ =	swait.ge [sflag:s17], $0x2800  }
0xd1: {  	s5 =	rddreg [dreg:$0x7];
	[sflag:s17] =	ssyncset.done $0x0  }
0xd2: {  	[sflag:s17] =	ssyncadd.s32 $0xFFFFD800;
	s21 =	sadd.s32 s20, s5  }
0xd3: {  	[tilespmem:s0], [sflag:$0x6] =	stream.linear.gather [hbm4b:s21+s4], $0x100, $0x38;
	[tilespmem:$0x1BE00] =	vst v63  }
0xd4: {  	_ =	swait.ge [sflag:s3], $0x2800  }
0xd5: {  	[sflag:s3] =	ssyncset.done $0x0  }
0xd6: {  	s21 =	simm.s32 $0x180;
	[sflag:s3] =	ssyncadd.s32 $0xFFFFD800  }
0xd7: {  	[spmem:s2] =	stream.indirect.scatter.add.f32 [tilespmem:s31], [sflag:$0xB], $0x80, s21, s24, $0xb8;
	[tilespmem:$0x1BE00] =	vst v63  }
0xd8: {  	_ =	swait.ge [sflag:s8], $0x100  }
0xd9: {  	[sflag:s8] =	ssyncset.done $0x0  }
0xda: {  	[sflag:s8] =	ssyncadd.s32 $0xFFFFFF00  }
0xdb: {  	[tilespmem:s9], [sflag:$0x9] =	stream.indirect.gather [hbm4b:s1+s24], $0x80, s6, s24, $0xb8;
	[tilespmem:$0x1BE00] =	vst v63  }
0xdc: {  	_ =	swait.ge [sflag:s10], $0x2800  }
0xdd: {  	p1 =	seq.s32 s20, $0xE40;
	s21 =	rddreg [dreg:$0x6];
	[sflag:s10] =	ssyncset.done $0x0  }
0xde: {  	s29 =	simm.s32 @!p1 $0x0;
	[sflag:s10] =	ssyncadd.s32 $0xFFFFD800;
	s21 =	sadd.s32 @!p1 s20, s21  }
0xdf: {  	[tilespmem:s29], [sflag:$0x1] =	stream.linear.gather @!p1 [hbm4b:s21+s29], $0x100, $0x38;
	[tilespmem:$0x1BE00] =	vst v63  }
0xe0: {  	_ =	swait.ge [sflag:s11], $0x2800  }
0xe1: {  	[sflag:s11] =	ssyncset.done $0x0  }
0xe2: {  	[sflag:s11] =	ssyncadd.s32 $0xFFFFD800  }
0xe3: {  	[spmem:s2] =	stream.indirect.scatter.add.f32 [tilespmem:s9], [sflag:$0xC], $0x80, s15, s24, $0xb8;
	[tilespmem:$0x1BE00] =	vst v63  }
0xe4: {  	_ =	swait.ge [sflag:s13], $0x100  }
0xe5: {  	[sflag:s13] =	ssyncset.done $0x0  }
0xe6: {  	[sflag:s13] =	ssyncadd.s32 $0xFFFFFF00  }
0xe7: {  	[tilespmem:s25], [sflag:$0x7] =	stream.indirect.gather [hbm4b:s1+s24], $0x80, s22, s24, $0xb8;
	[tilespmem:$0x1BE00] =	vst v63  }
0xe8: {  	_ =	swait.ge [sflag:s14], $0x2800  }
0xe9: {  	s21 =	rddreg [dreg:$0x5];
	[sflag:s14] =	ssyncset.done $0x0  }
0xea: {  	s5 =	simm.s32 @!p1 $0x100;
	[sflag:s14] =	ssyncadd.s32 $0xFFFFD800;
	s21 =	sadd.s32 @!p1 s20, s21  }
0xeb: {  	[tilespmem:s5], [sflag:$0x2] =	stream.linear.gather @!p1 [hbm4b:s21+s29], $0x100, $0x38;
	[tilespmem:$0x1BE00] =	vst v63  }
0xec: {  	_ =	swait.ge [sflag:s28], $0x2800  }
0xed: {  	[sflag:s28] =	ssyncset.done $0x0  }
0xee: {  	[sflag:s28] =	ssyncadd.s32 $0xFFFFD800  }
0xef: {  	[spmem:s2] =	stream.indirect.scatter.add.f32 [tilespmem:s25], [sflag:$0xA], $0x80, s18, s24, $0xb8;
	[tilespmem:$0x1BE00] =	vst v63  }
0xf0: {  	_ =	swait.ge [sflag:s16], $0x100  }
0xf1: {  	[sflag:s16] =	ssyncset.done $0x0  }
0xf2: {  	[sflag:s16] =	ssyncadd.s32 $0xFFFFFF00  }
0xf3: {  	[tilespmem:s31], [sflag:$0x8] =	stream.indirect.gather [hbm4b:s1+s24], $0x80, s26, s24, $0xb8;
	[tilespmem:$0x1BE00] =	vst v63  }
0xf4: {  	_ =	swait.ge [sflag:s17], $0x2800  }
0xf5: {  	s5 =	rddreg [dreg:$0x4];
	[sflag:s17] =	ssyncset.done $0x0  }
0xf6: {  	[sflag:s17] =	ssyncadd.s32 $0xFFFFD800;
	s5 =	sadd.s32 @!p1 s20, s5;
	s20 =	simm.s32 @!p1 $0x200  }
0xf7: {  	[tilespmem:s20], [sflag:$0x3] =	stream.linear.gather @!p1 [hbm4b:s5+s29], $0x100, $0x38;
	[tilespmem:$0x1BE00] =	vst v63  }
0xf8: {  	s19 =	sadd.s32 $0xC0, s19;
	_ =	swait.ge [sflag:s3], $0x2800  }
0xf9: {  	p0 =	sne.s32 s19, $0xF00;
	[sflag:s3] =	ssyncset.done $0x0  }
.Ltmp0:
0xfa: {  	[sflag:s3] =	ssyncadd.s32 $0xFFFFD800;
	(pc) =	sbr.rel @p0 .LBB2_2-.Ltmp0, $4  }
0xfb: {  	[spmem:s2] =	stream.indirect.scatter.add.f32 [tilespmem:s31], [sflag:$0xB], $0x80, s12, s24, $0xb8;
	[tilespmem:$0x1BE00] =	vst v63  }
0xfc: {  	_ =	swait.ge [sflag:s7], $0x100  }
0xfd: {  	[sflag:s7] =	ssyncset.done $0x0  }
0xfe: {  	s29 =	simm.s32 $0x100;
	[sflag:s7] =	ssyncadd.s32 $0xFFFFFF00  }
0xff: {  	[tilespmem:s9], [sflag:$0x9] =	stream.indirect.gather [hbm4b:s1+s24], $0x80, s0, s24, $0xb8;
	[tilespmem:$0x1BE00] =	vst v63  }
0x100: {  	_ =	swait.ge [sflag:s11], $0x2800  }
0x101: {  	[sflag:s11] =	ssyncset.done $0x0  }
0x102: {  	s5 =	simm.s32 $0x580;
	[sflag:s11] =	ssyncadd.s32 $0xFFFFD800  }
0x103: {  	[spmem:s2] =	stream.indirect.scatter.add.f32 [tilespmem:s9], [sflag:$0xC], $0x80, s5, s24, $0xb8;
	[tilespmem:$0x1BE00] =	vst v63  }
0x104: {  	_ =	swait.ge [sflag:s10], $0x2800  }
0x105: {  	[sflag:s10] =	ssyncset.done $0x0  }
0x106: {  	[sflag:s10] =	ssyncadd.s32 $0xFFFFD800  }
0x107: {  	_ =	swait.ge [sflag:s14], $0x2800  }
0x108: {  	[sflag:s14] =	ssyncset.done $0x0  }
0x109: {  	[sflag:s14] =	ssyncadd.s32 $0xFFFFD800  }
0x10a: {  	_ =	swait.ge [sflag:s17], $0x2800  }
0x10b: {  	[sflag:s17] =	ssyncset.done $0x0  }
0x10c: {  	[sflag:s17] =	ssyncadd.s32 $0xFFFFD800  }
0x10d: {  	[bflag:$0x0] =	sbarrier.arrive $0xFFFF  }
0x10e: {  	s19 =	rddreg [dreg:$0xc]  }
0x10f: {  	s12 =	rddreg [dreg:$0x15]  }
0x110: {  	s21 =	simm.s32 $0xD;
	s20 =	rddreg [dreg:$0x17]  }
0x111: {  	[hbm:s12], [sflag:s19] =	dma.local [spmem:s20], $0x2800  }
0x112: {  	_ =	swait.ge [sflag:s21], $0x2800  }
0x113: {  	s6 =	rddreg [dreg:$0x18]  }
0x114: {  	s18 =	rddreg [dreg:$0x16];
	s6 =	sadd.s32 $0x1, s6  }
0x115: {  	p0 =	sne.s32 s6, s18  }
.Ltmp1:
0x116: {  	_ = 	snop;
	(pc) =	sbr.rel @p0 .LBB2_1-.Ltmp1, $3  }
0x117: {  	_ =	sdelay $0x1  }
0x118: {  	[sflag:s21] =	ssyncset.done $0x0  }
0x119: {  	[sflag:s21] =	ssyncadd.s32 $0xFFFFD800  }
0x11a: {  	_ =	sfence.sel $0x180000  }
0x11b: {  	[bflag:$0x0] =	sbarrier.arrive $0xFFFF  }
0x11c: {  	_ =	strace $0x90000047  }
0x11d: {  	s0 =	stileid.u32;
	[bflag:$0x2] =	sbarrier.arrive $0xFFFF  }
0x11e: {  	p0 =	sne.s32 s0, $0x0;
	s0 =	rddreg [dreg:$0x3]  }
0x11f: {  	s0 =	sadd.s32 @!p0 $0x100000, s0  }
0x120: {  	[sflag:s0] =	ssyncadd.tile.s32 @!p0 $0x1;
	_ =	shalt  }
.Lfunc_end2:
_tile_overlayer_lowered:
.L_overlay_start_2:
0x121: {  	(tag) =	ssettag $0x2  }
0x122: {  	s0 =	rddreg [dreg:$0x0];
	s2 =	stileid.u32  }
0x123: {  	s1 =	rddreg [dreg:$0x1];
	p0 =	sne.s32 s2, $0x0  }
0x124: {  	s3 =	rddreg [dreg:$0x2];
	[bflag:$0x3] =	sbarrier.arrive $0xFFFF;
	s2 =	simm.s32 @!p0 $0x1C0D  }
0x125: {  	[timem:s3], [sflag:s2] =	dma.local @!p0 [hbm:s0], s1  }
0x126: {  	s0 =	simm.s32 @!p0 $0xD  }
0x127: {  	_ =	swait.ge @!p0 [sflag:s0], s1  }
0x128: {  	s1 =	ssub.s32 @!p0 $0x0, s1;
	[sflag:s0] =	ssyncset.done @!p0 $0x0  }
0x129: {  	[sflag:s0] =	ssyncadd.s32 @!p0 s1  }
0x12a: {  	[bflag:$0x3] =	sbarrier.arrive $0xFFFF  }
0x12b: {  	_ =	shalt  }

</sc_bundles>
